<compile_context>
chip_gen: v7x
topology: tpu7x:2x2x1
jax: 0.10.2.dev20260603
libtpu: 0.0.44.dev20260713+nightly
codegen_flags: <defaults>
</compile_context>

<pallas_src>
import jax
import jax.numpy as jnp
from jax import lax
from jax.experimental import pallas as pl
from jax.experimental.pallas import tpu as pltpu
from jax.experimental.pallas import tpu_sc as plsc

H = 768
I = 1536
E = 63
EP = 64
TOPK = 2
N = 2048
A = N * TOPK
M = 256
T = A // M
G = T + E - 1
C = 512
NCHUNK = A // C

_NT = (((1,), (1,)), ((), ()))


def _dot_nt(a, b):
  return lax.dot_general(a, b, _NT, preferred_element_type=jnp.float32)


def _plan_body(x_ref, rw_ref, b_ref, meta_ref, rank_ref, w1_ref, w2_ref,
               e12_ref):
  x = x_ref[...]
  logits = _dot_nt(x, rw_ref[...])
  logits = logits + b_ref[...]
  probs = jax.nn.sigmoid(logits)
  eidx = lax.broadcasted_iota(jnp.int32, probs.shape, 1)
  big = jnp.int32(2 ** 30)
  m1 = jnp.max(probs, axis=1, keepdims=True)
  i1 = jnp.min(jnp.where(probs == m1, eidx, big), axis=1, keepdims=True)
  probs2 = jnp.where(eidx == i1, -jnp.inf, probs)
  m2 = jnp.max(probs2, axis=1, keepdims=True)
  i2 = jnp.min(jnp.where(probs2 == m2, eidx, big), axis=1, keepdims=True)
  denom = m1 + m2
  w1_ref[...] = m1 / denom
  w2_ref[...] = m2 / denom
  e12_ref[0:N, :] = i1
  e12_ref[N:A, :] = i2

  oh1 = (i1 == eidx).astype(jnp.float32)
  oh2 = (i2 == eidx).astype(jnp.float32)
  counts = (jnp.sum(oh1, axis=0, keepdims=True)
            + jnp.sum(oh2, axis=0, keepdims=True))

  er = lax.broadcasted_iota(jnp.int32, (EP, EP), 0)
  ec = lax.broadcasted_iota(jnp.int32, (EP, EP), 1)
  tri_e = (er < ec).astype(jnp.float32)
  starts = _dot_nt(counts, tri_e.T)
  ends = starts + counts

  rr = lax.broadcasted_iota(jnp.int32, (C, C), 0)
  rc = lax.broadcasted_iota(jnp.int32, (C, C), 1)
  tri_c = (rc < rr).astype(jnp.float32)
  ch_eidx = lax.broadcasted_iota(jnp.int32, (C, EP), 1)

  def chunk(c, running):
    e_ch = e12_ref[pl.ds(c * C, C), :]
    oh = (e_ch == ch_eidx).astype(jnp.float32)
    prefix = lax.dot_general(tri_c, oh, (((1,), (0,)), ((), ())),
                             preferred_element_type=jnp.float32)
    base = starts + running
    r = jnp.sum(oh * (base + prefix), axis=1, keepdims=True)
    rank_ref[pl.ds(c * C, C), :] = r.astype(jnp.int32)
    return running + jnp.sum(oh, axis=0, keepdims=True)

  lax.fori_loop(0, NCHUNK, chunk, jnp.zeros((1, EP), jnp.float32))

  startsc = starts.reshape(EP, 1)
  countsc = counts.reshape(EP, 1)
  endsc = ends.reshape(EP, 1)
  ftile = jnp.floor(startsc / M)
  ltile = jnp.floor((endsc - 1.0) / M)
  ntiles = jnp.where(countsc > 0.0, ltile - ftile + 1.0, 0.0)
  woff = _dot_nt(ntiles.reshape(1, EP), tri_e.T).reshape(EP, 1)
  total = jnp.sum(ntiles)

  gl = lax.broadcasted_iota(jnp.int32, (1, 128), 1).astype(jnp.float32)
  le_mask = (woff <= gl).astype(jnp.float32)
  eg = jnp.sum(le_mask, axis=0, keepdims=True) - 1.0
  ee = lax.broadcasted_iota(jnp.int32, (EP, 128), 0).astype(jnp.float32)
  oh_g = (ee == eg).astype(jnp.float32)
  tg = jnp.sum(oh_g * ftile, axis=0, keepdims=True) + gl - \
      jnp.sum(oh_g * woff, axis=0, keepdims=True)
  lo = jnp.sum(oh_g * startsc, axis=0, keepdims=True)
  hi = jnp.sum(oh_g * endsc, axis=0, keepdims=True)
  valid = (gl < total).astype(jnp.float32)
  lastsel = (gl == total - 1.0).astype(jnp.float32)
  last_t = jnp.sum(lastsel * tg, axis=1, keepdims=True)
  last_e = jnp.sum(lastsel * eg, axis=1, keepdims=True)
  tg = valid * tg + (1.0 - valid) * last_t
  eg = valid * eg + (1.0 - valid) * last_e
  lo = valid * lo
  hi = valid * hi
  tg_prev = jnp.concatenate([jnp.full((1, 1), -1.0, jnp.float32),
                             tg[:, :127]], axis=1)
  fv = valid * (tg != tg_prev).astype(jnp.float32)
  meta = jnp.concatenate(
      [tg, eg, lo, hi, fv, jnp.zeros((3, 128), jnp.float32)], axis=0)
  meta_ref[...] = meta.astype(jnp.int32)


def _plan(flat, router_w, routing_bias):
  rw = jnp.zeros((EP, H), jnp.float32).at[:E].set(router_w)
  bias = jnp.full((1, EP), -jnp.inf, jnp.float32).at[0, :E].set(routing_bias)
  return pl.pallas_call(
      _plan_body,
      out_shape=(
          jax.ShapeDtypeStruct((8, 128), jnp.int32),
          jax.ShapeDtypeStruct((A, 1), jnp.int32),
          jax.ShapeDtypeStruct((N, 1), jnp.float32),
          jax.ShapeDtypeStruct((N, 1), jnp.float32),
      ),
      scratch_shapes=[pltpu.VMEM((A, 1), jnp.int32)],
  )(flat, rw, bias)


def _dispatch_body(flat_hbm, rank_hbm, xs_hbm, idx_v, rows_v, sem):
  info = plsc.get_sparse_core_info()
  nc = info.num_cores
  wid = lax.axis_index("s") * nc + lax.axis_index("c")
  rpw = A // (nc * info.num_subcores)
  base = wid * rpw
  tok_base = lax.rem(base, N)
  pltpu.sync_copy(rank_hbm.at[pl.ds(base, rpw)], idx_v)
  pltpu.sync_copy(flat_hbm.at[pl.ds(tok_base, rpw)], rows_v)
  pltpu.async_copy(rows_v, xs_hbm.at[idx_v], sem).wait()


def _dispatch(flat, rank):
  info = plsc.get_sparse_core_info()
  rpw = A // (info.num_cores * info.num_subcores)
  mesh = plsc.VectorSubcoreMesh(core_axis_name="c", subcore_axis_name="s")
  return pl.kernel(
      _dispatch_body,
      out_type=jax.ShapeDtypeStruct((A, H), jnp.float32),
      mesh=mesh,
      scratch_types=[
          pltpu.VMEM((rpw,), jnp.int32),
          pltpu.VMEM((rpw, H), jnp.float32),
          pltpu.SemaphoreType.DMA,
      ],
  )(flat, rank)


def _grouped_body(meta_ref, xs_ref, gw_ref, uw_ref, dw_ref, ys_ref):
  g = pl.program_id(0)
  t = meta_ref[0, g]
  lo = meta_ref[2, g]
  hi = meta_ref[3, g]
  fv = meta_ref[4, g]

  @pl.when(fv == 1)
  def _():
    ys_ref[...] = jnp.zeros_like(ys_ref)

  @pl.when(hi > lo)
  def _():
    rows = t * M + lax.broadcasted_iota(jnp.int32, (M, 1), 0)
    mask = (rows >= lo) & (rows < hi)
    x = xs_ref[...]
    hpre = _dot_nt(x, gw_ref[0])
    h = jax.nn.silu(hpre) * _dot_nt(x, uw_ref[0])
    contrib = _dot_nt(h, dw_ref[0])
    ys_ref[...] += jnp.where(mask, contrib, 0.0)


def _grouped(meta, xs, routed_gate, routed_up, routed_down):
  grid_spec = pltpu.PrefetchScalarGridSpec(
      num_scalar_prefetch=1,
      grid=(G,),
      in_specs=[
          pl.BlockSpec((M, H), lambda g, meta: (meta[0, g], 0)),
          pl.BlockSpec((1, I, H), lambda g, meta: (meta[1, g], 0, 0)),
          pl.BlockSpec((1, I, H), lambda g, meta: (meta[1, g], 0, 0)),
          pl.BlockSpec((1, H, I), lambda g, meta: (meta[1, g], 0, 0)),
      ],
      out_specs=pl.BlockSpec((M, H), lambda g, meta: (meta[0, g], 0)),
  )
  return pl.pallas_call(
      _grouped_body,
      grid_spec=grid_spec,
      out_shape=jax.ShapeDtypeStruct((A, H), jnp.float32),
      compiler_params=pltpu.CompilerParams(
          dimension_semantics=("arbitrary",),
          vmem_limit_bytes=128 * 1024 * 1024,
      ),
  )(meta, xs, routed_gate, routed_up, routed_down)


def _combine_body(ys_hbm, inv1_hbm, inv2_hbm, y1_hbm, y2_hbm,
                  i1_v, i2_v, r1_v, r2_v, sem1, sem2):
  info = plsc.get_sparse_core_info()
  nc = info.num_cores
  wid = lax.axis_index("s") * nc + lax.axis_index("c")
  rpw = N // (nc * info.num_subcores)
  base = wid * rpw
  pltpu.sync_copy(inv1_hbm.at[pl.ds(base, rpw)], i1_v)
  pltpu.sync_copy(inv2_hbm.at[pl.ds(base, rpw)], i2_v)
  cp1 = pltpu.async_copy(ys_hbm.at[i1_v], r1_v, sem1)
  cp2 = pltpu.async_copy(ys_hbm.at[i2_v], r2_v, sem2)
  cp1.wait()
  cp2.wait()
  pltpu.sync_copy(r1_v, y1_hbm.at[pl.ds(base, rpw)])
  pltpu.sync_copy(r2_v, y2_hbm.at[pl.ds(base, rpw)])


def _combine(ys, inv1, inv2):
  info = plsc.get_sparse_core_info()
  rpw = N // (info.num_cores * info.num_subcores)
  mesh = plsc.VectorSubcoreMesh(core_axis_name="c", subcore_axis_name="s")
  return pl.kernel(
      _combine_body,
      out_type=(
          jax.ShapeDtypeStruct((N, H), jnp.float32),
          jax.ShapeDtypeStruct((N, H), jnp.float32),
      ),
      mesh=mesh,
      scratch_types=[
          pltpu.VMEM((rpw,), jnp.int32),
          pltpu.VMEM((rpw,), jnp.int32),
          pltpu.VMEM((rpw, H), jnp.float32),
          pltpu.VMEM((rpw, H), jnp.float32),
          pltpu.SemaphoreType.DMA,
          pltpu.SemaphoreType.DMA,
      ],
  )(ys, inv1, inv2)


MS = 256


def _shared_body(x_ref, sg_ref, su_ref, sd_ref, y1_ref, y2_ref,
                 w1_ref, w2_ref, o_ref):
  t = pl.program_id(0)
  x = x_ref[...]
  h = jax.nn.silu(_dot_nt(x, sg_ref[...])) * _dot_nt(x, su_ref[...])
  out = _dot_nt(h, sd_ref[...])
  w1 = w1_ref[pl.ds(t * MS, MS), :]
  w2 = w2_ref[pl.ds(t * MS, MS), :]
  o_ref[...] = out + w1 * y1_ref[...] + w2 * y2_ref[...]


def _shared_combine(flat, sg, su, sd, ys1, ys2, w1, w2):
  nt = N // MS
  return pl.pallas_call(
      _shared_body,
      grid=(nt,),
      in_specs=[
          pl.BlockSpec((MS, H), lambda t: (t, 0)),
          pl.BlockSpec((I, H), lambda t: (0, 0)),
          pl.BlockSpec((I, H), lambda t: (0, 0)),
          pl.BlockSpec((H, I), lambda t: (0, 0)),
          pl.BlockSpec((MS, H), lambda t: (t, 0)),
          pl.BlockSpec((MS, H), lambda t: (t, 0)),
          pl.BlockSpec((N, 1), lambda t: (0, 0)),
          pl.BlockSpec((N, 1), lambda t: (0, 0)),
      ],
      out_specs=pl.BlockSpec((MS, H), lambda t: (t, 0)),
      out_shape=jax.ShapeDtypeStruct((N, H), jnp.float32),
      compiler_params=pltpu.CompilerParams(
          dimension_semantics=("arbitrary",),
          vmem_limit_bytes=128 * 1024 * 1024,
      ),
  )(flat, sg, su, sd, ys1, ys2, w1, w2)


def kernel(x, shared_gate, shared_up, shared_down, routed_gate, routed_up,
           routed_down, router_w, routing_bias):
  flat = x.reshape(N, H)
  meta, rank, w1, w2 = _plan(flat, router_w, routing_bias)
  rank_flat = rank.reshape(A)
  xs = _dispatch(flat, rank_flat)
  ys = _grouped(meta, xs, routed_gate, routed_up, routed_down)
  ys1, ys2 = _combine(ys, rank_flat[:N], rank_flat[N:])
  out = _shared_combine(flat, shared_gate, shared_up, shared_down,
                        ys1, ys2, w1, w2)
  return out.reshape(x.shape)

# --- scband reference (transcript-rebuilt; emitter-appended) ---
"""Pipeline reference for scband-deep-seek-mo-e-83854941487678 (READ-ONLY COPY).

The authoritative reference and input builder live on the scoring server;
editing this copy changes nothing except your own understanding.
"""

import jax, jax.numpy as jnp
import numpy as np

H = 768
I = 1536
E_ROUTED = 63  # num_experts(64) - num_shared_experts(1)
TOPK = 2
B = 1
S = 2048


def _expert(x2d, gW, uW, dW):
    return (jax.nn.silu(x2d @ gW.T) * (x2d @ uW.T)) @ dW.T


def setup_inputs(seed: int = 0) -> dict:
    key = jax.random.key(seed)
    ks = jax.random.split(key, 9)
    sc = 0.02
    x = jax.random.normal(ks[0], (B, S, H), dtype=jnp.float32)
    shared_gate = jax.random.normal(ks[1], (I, H), dtype=jnp.float32) * sc
    shared_up = jax.random.normal(ks[2], (I, H), dtype=jnp.float32) * sc
    shared_down = jax.random.normal(ks[3], (H, I), dtype=jnp.float32) * sc
    routed_gate = jax.random.normal(ks[4], (E_ROUTED, I, H), dtype=jnp.float32) * sc
    routed_up = jax.random.normal(ks[5], (E_ROUTED, I, H), dtype=jnp.float32) * sc
    routed_down = jax.random.normal(ks[6], (E_ROUTED, H, I), dtype=jnp.float32) * sc
    router_w = jax.random.normal(ks[7], (E_ROUTED, H), dtype=jnp.float32) * sc
    routing_bias = jnp.zeros((E_ROUTED,), dtype=jnp.float32)
    return {
        "x": x,
        "shared_gate": shared_gate,
        "shared_up": shared_up,
        "shared_down": shared_down,
        "routed_gate": routed_gate,
        "routed_up": routed_up,
        "routed_down": routed_down,
        "router_w": router_w,
        "routing_bias": routing_bias,
    }


def reference(x, shared_gate, shared_up, shared_down, routed_gate, routed_up, routed_down, router_w, routing_bias):
    Bv, Sv, Hv = x.shape
    flat = x.reshape(-1, Hv)
    # single shared expert (num_shared_experts == 1, so no division)
    shared_out = _expert(flat, shared_gate, shared_up, shared_down)
    routing_logits = flat @ router_w.T + routing_bias
    routing_probs = jax.nn.sigmoid(routing_logits)
    scores, indices = jax.lax.top_k(routing_probs, TOPK)
    scores = scores / jnp.sum(scores, axis=-1, keepdims=True)
    combined = jnp.zeros_like(flat)
    for k in range(TOPK):
        for i in range(E_ROUTED):
            mask = indices[:, k] == i
            eo = _expert(flat, routed_gate[i], routed_up[i], routed_down[i])
            combined = jnp.where(
                mask[:, None],
                combined + eo * scores[:, k][:, None],
                combined,
            )
    return (shared_out + combined).reshape(Bv, Sv, Hv)

if __name__ == "__main__":
    import jax
    _d = setup_inputs()
    print(jax.jit(kernel)(*tuple(_d.values())))

</pallas_src>

<mosaic_0001>
#map = affine_map<(d0, d1) -> (0, 0)>
#map1 = affine_map<(d0, d1) -> (0)>
module attributes {stable_mosaic.version = 14 : i64} {
  func.func @_combine_body(%arg0: i32, %arg1: i32, %arg2: memref<4096x768xf32, #tpu.memory_space<hbm>>, %arg3: memref<2048xi32, #tpu.memory_space<hbm>>, %arg4: memref<2048xi32, #tpu.memory_space<hbm>>, %arg5: memref<2048x768xf32, #tpu.memory_space<hbm>>, %arg6: memref<2048x768xf32, #tpu.memory_space<hbm>>, %arg7: memref<64xi32, #tpu.memory_space<vmem>>, %arg8: memref<64xi32, #tpu.memory_space<vmem>>, %arg9: memref<64x768xf32, #tpu.memory_space<vmem>>, %arg10: memref<64x768xf32, #tpu.memory_space<vmem>>, %arg11: memref<!tpu.dma_semaphore, #tpu.memory_space<semaphore_mem>>, %arg12: memref<!tpu.dma_semaphore, #tpu.memory_space<semaphore_mem>>) attributes {dimension_semantics = [#tpu.dimension_semantics<core_parallel>, #tpu.dimension_semantics<subcore_parallel>], iteration_bounds = array<i64: 2, 16>, scalar_prefetch = 0 : i64, scratch_operands = 6 : i64, tpu.core_type = #tpu.core_type<sc_vector_subcore>, window_params = [{transform_indices = #map}, {transform_indices = #map1}, {transform_indices = #map1}, {transform_indices = #map}, {transform_indices = #map}]} {
    %mul3A = arith.constant 2 : i32
    %mul3A_0 = arith.muli %arg1, %mul3A : i32
    %add3A = arith.addi %mul3A_0, %arg0 : i32
    %mul3A_1 = arith.constant 64 : i32
    %mul3A_2 = arith.muli %add3A, %mul3A_1 : i32
    "tpu.region"() ({
      %run_scoped3A = tpu.sem_alloc : memref<!tpu.dma_semaphore, #tpu.memory_space<semaphore_mem>>
      %dma_start3A_13 = tpu.memref_slice %arg3[%mul3A_2] : memref<2048xi32, #tpu.memory_space<hbm>> -> memref<64xi32, #tpu.memory_space<hbm>>
      %dma_start3A_14 = tpu.memref_slice %arg3[%mul3A_2] : memref<2048xi32, #tpu.memory_space<hbm>> -> memref<64xi32, #tpu.memory_space<hbm>>
      tpu.enqueue_dma source(%dma_start3A_14 : memref<64xi32, #tpu.memory_space<hbm>>) target(%arg7 : memref<64xi32, #tpu.memory_space<vmem>>) target_semaphore(%run_scoped3A : memref<!tpu.dma_semaphore, #tpu.memory_space<semaphore_mem>>)
      %dma_wait3A_15 = tpu.memref_slice %arg3[%mul3A_2] : memref<2048xi32, #tpu.memory_space<hbm>> -> memref<64xi32, #tpu.memory_space<hbm>>
      %dma_wait3A_16 = tpu.memref_slice %arg3[%mul3A_2] : memref<2048xi32, #tpu.memory_space<hbm>> -> memref<64xi32, #tpu.memory_space<hbm>>
      tpu.wait_dma2 semaphore(%run_scoped3A : memref<!tpu.dma_semaphore, #tpu.memory_space<semaphore_mem>>) src(%dma_wait3A_16 : memref<64xi32, #tpu.memory_space<hbm>>) dst(%arg7 : memref<64xi32, #tpu.memory_space<vmem>>)
      tpu.yield
    }) : () -> ()
    "tpu.region"() ({
      %run_scoped3A = tpu.sem_alloc : memref<!tpu.dma_semaphore, #tpu.memory_space<semaphore_mem>>
      %dma_start3A_13 = tpu.memref_slice %arg4[%mul3A_2] : memref<2048xi32, #tpu.memory_space<hbm>> -> memref<64xi32, #tpu.memory_space<hbm>>
      %dma_start3A_14 = tpu.memref_slice %arg4[%mul3A_2] : memref<2048xi32, #tpu.memory_space<hbm>> -> memref<64xi32, #tpu.memory_space<hbm>>
      tpu.enqueue_dma source(%dma_start3A_14 : memref<64xi32, #tpu.memory_space<hbm>>) target(%arg8 : memref<64xi32, #tpu.memory_space<vmem>>) target_semaphore(%run_scoped3A : memref<!tpu.dma_semaphore, #tpu.memory_space<semaphore_mem>>)
      %dma_wait3A_15 = tpu.memref_slice %arg4[%mul3A_2] : memref<2048xi32, #tpu.memory_space<hbm>> -> memref<64xi32, #tpu.memory_space<hbm>>
      %dma_wait3A_16 = tpu.memref_slice %arg4[%mul3A_2] : memref<2048xi32, #tpu.memory_space<hbm>> -> memref<64xi32, #tpu.memory_space<hbm>>
      tpu.wait_dma2 semaphore(%run_scoped3A : memref<!tpu.dma_semaphore, #tpu.memory_space<semaphore_mem>>) src(%dma_wait3A_16 : memref<64xi32, #tpu.memory_space<hbm>>) dst(%arg8 : memref<64xi32, #tpu.memory_space<vmem>>)
      tpu.yield
    }) : () -> ()
    %dma_start3A = arith.constant 0 : i32
    %dma_start3A_3 = arith.constant 0 : i32
    %dma_start3A_4 = tpu.memref_slice %arg2[%dma_start3A, %dma_start3A_3] : memref<4096x768xf32, #tpu.memory_space<hbm>> -> memref<4096x768xf32, #tpu.memory_space<hbm>>
    tpu.enqueue_indirect_dma source(%dma_start3A_4 : memref<4096x768xf32, #tpu.memory_space<hbm>>) target(%arg9 : memref<64x768xf32, #tpu.memory_space<vmem>>) offsets(%arg7 : memref<64xi32, #tpu.memory_space<vmem>>) semaphore(%arg11 : memref<!tpu.dma_semaphore, #tpu.memory_space<semaphore_mem>>)
    %dma_start3A_5 = arith.constant 0 : i32
    %dma_start3A_6 = arith.constant 0 : i32
    %dma_start3A_7 = tpu.memref_slice %arg2[%dma_start3A_5, %dma_start3A_6] : memref<4096x768xf32, #tpu.memory_space<hbm>> -> memref<4096x768xf32, #tpu.memory_space<hbm>>
    tpu.enqueue_indirect_dma source(%dma_start3A_7 : memref<4096x768xf32, #tpu.memory_space<hbm>>) target(%arg10 : memref<64x768xf32, #tpu.memory_space<vmem>>) offsets(%arg8 : memref<64xi32, #tpu.memory_space<vmem>>) semaphore(%arg12 : memref<!tpu.dma_semaphore, #tpu.memory_space<semaphore_mem>>)
    %dma_wait3A = arith.constant 0 : i32
    %dma_wait3A_8 = arith.constant 0 : i32
    %dma_wait3A_9 = tpu.memref_slice %arg2[%dma_wait3A, %dma_wait3A_8] : memref<4096x768xf32, #tpu.memory_space<hbm>> -> memref<4096x768xf32, #tpu.memory_space<hbm>>
    tpu.wait_indirect_dma semaphore(%arg11 : memref<!tpu.dma_semaphore, #tpu.memory_space<semaphore_mem>>) src(%dma_wait3A_9 : memref<4096x768xf32, #tpu.memory_space<hbm>>) dst(%arg9 : memref<64x768xf32, #tpu.memory_space<vmem>>)
    %dma_wait3A_10 = arith.constant 0 : i32
    %dma_wait3A_11 = arith.constant 0 : i32
    %dma_wait3A_12 = tpu.memref_slice %arg2[%dma_wait3A_10, %dma_wait3A_11] : memref<4096x768xf32, #tpu.memory_space<hbm>> -> memref<4096x768xf32, #tpu.memory_space<hbm>>
    tpu.wait_indirect_dma semaphore(%arg12 : memref<!tpu.dma_semaphore, #tpu.memory_space<semaphore_mem>>) src(%dma_wait3A_12 : memref<4096x768xf32, #tpu.memory_space<hbm>>) dst(%arg10 : memref<64x768xf32, #tpu.memory_space<vmem>>)
    "tpu.region"() ({
      %run_scoped3A = tpu.sem_alloc : memref<!tpu.dma_semaphore, #tpu.memory_space<semaphore_mem>>
      %dma_start3A_13 = arith.constant 0 : i32
      %dma_start3A_14 = tpu.memref_slice %arg5[%mul3A_2, %dma_start3A_13] : memref<2048x768xf32, #tpu.memory_space<hbm>> -> memref<64x768xf32, #tpu.memory_space<hbm>>
      %dma_start3A_15 = arith.constant 0 : i32
      %dma_start3A_16 = tpu.memref_slice %arg5[%mul3A_2, %dma_start3A_15] : memref<2048x768xf32, #tpu.memory_space<hbm>> -> memref<64x768xf32, #tpu.memory_space<hbm>>
      tpu.enqueue_dma source(%arg9 : memref<64x768xf32, #tpu.memory_space<vmem>>) target(%dma_start3A_16 : memref<64x768xf32, #tpu.memory_space<hbm>>) target_semaphore(%run_scoped3A : memref<!tpu.dma_semaphore, #tpu.memory_space<semaphore_mem>>)
      %dma_wait3A_17 = arith.constant 0 : i32
      %dma_wait3A_18 = tpu.memref_slice %arg5[%mul3A_2, %dma_wait3A_17] : memref<2048x768xf32, #tpu.memory_space<hbm>> -> memref<64x768xf32, #tpu.memory_space<hbm>>
      %dma_wait3A_19 = arith.constant 0 : i32
      %dma_wait3A_20 = tpu.memref_slice %arg5[%mul3A_2, %dma_wait3A_19] : memref<2048x768xf32, #tpu.memory_space<hbm>> -> memref<64x768xf32, #tpu.memory_space<hbm>>
      tpu.wait_dma2 semaphore(%run_scoped3A : memref<!tpu.dma_semaphore, #tpu.memory_space<semaphore_mem>>) src(%arg9 : memref<64x768xf32, #tpu.memory_space<vmem>>) dst(%dma_wait3A_20 : memref<64x768xf32, #tpu.memory_space<hbm>>)
      tpu.yield
    }) : () -> ()
    "tpu.region"() ({
      %run_scoped3A = tpu.sem_alloc : memref<!tpu.dma_semaphore, #tpu.memory_space<semaphore_mem>>
      %dma_start3A_13 = arith.constant 0 : i32
      %dma_start3A_14 = tpu.memref_slice %arg6[%mul3A_2, %dma_start3A_13] : memref<2048x768xf32, #tpu.memory_space<hbm>> -> memref<64x768xf32, #tpu.memory_space<hbm>>
      %dma_start3A_15 = arith.constant 0 : i32
      %dma_start3A_16 = tpu.memref_slice %arg6[%mul3A_2, %dma_start3A_15] : memref<2048x768xf32, #tpu.memory_space<hbm>> -> memref<64x768xf32, #tpu.memory_space<hbm>>
      tpu.enqueue_dma source(%arg10 : memref<64x768xf32, #tpu.memory_space<vmem>>) target(%dma_start3A_16 : memref<64x768xf32, #tpu.memory_space<hbm>>) target_semaphore(%run_scoped3A : memref<!tpu.dma_semaphore, #tpu.memory_space<semaphore_mem>>)
      %dma_wait3A_17 = arith.constant 0 : i32
      %dma_wait3A_18 = tpu.memref_slice %arg6[%mul3A_2, %dma_wait3A_17] : memref<2048x768xf32, #tpu.memory_space<hbm>> -> memref<64x768xf32, #tpu.memory_space<hbm>>
      %dma_wait3A_19 = arith.constant 0 : i32
      %dma_wait3A_20 = tpu.memref_slice %arg6[%mul3A_2, %dma_wait3A_19] : memref<2048x768xf32, #tpu.memory_space<hbm>> -> memref<64x768xf32, #tpu.memory_space<hbm>>
      tpu.wait_dma2 semaphore(%run_scoped3A : memref<!tpu.dma_semaphore, #tpu.memory_space<semaphore_mem>>) src(%arg10 : memref<64x768xf32, #tpu.memory_space<vmem>>) dst(%dma_wait3A_20 : memref<64x768xf32, #tpu.memory_space<hbm>>)
      tpu.yield
    }) : () -> ()
    return
  }
}

#map = affine_map<(d0, d1) -> (0, 0)>
#map1 = affine_map<(d0, d1) -> (0)>
module attributes {stable_mosaic.version = 14 : i64} {
  func.func @_dispatch_body(%arg0: i32, %arg1: i32, %arg2: memref<2048x768xf32, #tpu.memory_space<hbm>>, %arg3: memref<4096xi32, #tpu.memory_space<hbm>>, %arg4: memref<4096x768xf32, #tpu.memory_space<hbm>>, %arg5: memref<128xi32, #tpu.memory_space<vmem>>, %arg6: memref<128x768xf32, #tpu.memory_space<vmem>>, %arg7: memref<!tpu.dma_semaphore, #tpu.memory_space<semaphore_mem>>) attributes {dimension_semantics = [#tpu.dimension_semantics<core_parallel>, #tpu.dimension_semantics<subcore_parallel>], iteration_bounds = array<i64: 2, 16>, scalar_prefetch = 0 : i64, scratch_operands = 3 : i64, tpu.core_type = #tpu.core_type<sc_vector_subcore>, window_params = [{transform_indices = #map}, {transform_indices = #map1}, {transform_indices = #map}]} {
    %mul3A = arith.constant 2 : i32
    %mul3A_0 = arith.muli %arg1, %mul3A : i32
    %add3A = arith.addi %mul3A_0, %arg0 : i32
    %mul3A_1 = arith.constant 128 : i32
    %mul3A_2 = arith.muli %add3A, %mul3A_1 : i32
    %rem3A = arith.constant 2048 : i32
    %rem3A_3 = arith.remsi %mul3A_2, %rem3A : i32
    "tpu.region"() ({
      %run_scoped3A = tpu.sem_alloc : memref<!tpu.dma_semaphore, #tpu.memory_space<semaphore_mem>>
      %dma_start3A_8 = tpu.memref_slice %arg3[%mul3A_2] : memref<4096xi32, #tpu.memory_space<hbm>> -> memref<128xi32, #tpu.memory_space<hbm>>
      %dma_start3A_9 = tpu.memref_slice %arg3[%mul3A_2] : memref<4096xi32, #tpu.memory_space<hbm>> -> memref<128xi32, #tpu.memory_space<hbm>>
      tpu.enqueue_dma source(%dma_start3A_9 : memref<128xi32, #tpu.memory_space<hbm>>) target(%arg5 : memref<128xi32, #tpu.memory_space<vmem>>) target_semaphore(%run_scoped3A : memref<!tpu.dma_semaphore, #tpu.memory_space<semaphore_mem>>)
      %dma_wait3A_10 = tpu.memref_slice %arg3[%mul3A_2] : memref<4096xi32, #tpu.memory_space<hbm>> -> memref<128xi32, #tpu.memory_space<hbm>>
      %dma_wait3A_11 = tpu.memref_slice %arg3[%mul3A_2] : memref<4096xi32, #tpu.memory_space<hbm>> -> memref<128xi32, #tpu.memory_space<hbm>>
      tpu.wait_dma2 semaphore(%run_scoped3A : memref<!tpu.dma_semaphore, #tpu.memory_space<semaphore_mem>>) src(%dma_wait3A_11 : memref<128xi32, #tpu.memory_space<hbm>>) dst(%arg5 : memref<128xi32, #tpu.memory_space<vmem>>)
      tpu.yield
    }) : () -> ()
    "tpu.region"() ({
      %run_scoped3A = tpu.sem_alloc : memref<!tpu.dma_semaphore, #tpu.memory_space<semaphore_mem>>
      %dma_start3A_8 = arith.constant 0 : i32
      %dma_start3A_9 = tpu.memref_slice %arg2[%rem3A_3, %dma_start3A_8] : memref<2048x768xf32, #tpu.memory_space<hbm>> -> memref<128x768xf32, #tpu.memory_space<hbm>>
      %dma_start3A_10 = arith.constant 0 : i32
      %dma_start3A_11 = tpu.memref_slice %arg2[%rem3A_3, %dma_start3A_10] : memref<2048x768xf32, #tpu.memory_space<hbm>> -> memref<128x768xf32, #tpu.memory_space<hbm>>
      tpu.enqueue_dma source(%dma_start3A_11 : memref<128x768xf32, #tpu.memory_space<hbm>>) target(%arg6 : memref<128x768xf32, #tpu.memory_space<vmem>>) target_semaphore(%run_scoped3A : memref<!tpu.dma_semaphore, #tpu.memory_space<semaphore_mem>>)
      %dma_wait3A_12 = arith.constant 0 : i32
      %dma_wait3A_13 = tpu.memref_slice %arg2[%rem3A_3, %dma_wait3A_12] : memref<2048x768xf32, #tpu.memory_space<hbm>> -> memref<128x768xf32, #tpu.memory_space<hbm>>
      %dma_wait3A_14 = arith.constant 0 : i32
      %dma_wait3A_15 = tpu.memref_slice %arg2[%rem3A_3, %dma_wait3A_14] : memref<2048x768xf32, #tpu.memory_space<hbm>> -> memref<128x768xf32, #tpu.memory_space<hbm>>
      tpu.wait_dma2 semaphore(%run_scoped3A : memref<!tpu.dma_semaphore, #tpu.memory_space<semaphore_mem>>) src(%dma_wait3A_15 : memref<128x768xf32, #tpu.memory_space<hbm>>) dst(%arg6 : memref<128x768xf32, #tpu.memory_space<vmem>>)
      tpu.yield
    }) : () -> ()
    %dma_start3A = arith.constant 0 : i32
    %dma_start3A_4 = arith.constant 0 : i32
    %dma_start3A_5 = tpu.memref_slice %arg4[%dma_start3A, %dma_start3A_4] : memref<4096x768xf32, #tpu.memory_space<hbm>> -> memref<4096x768xf32, #tpu.memory_space<hbm>>
    tpu.enqueue_indirect_dma source(%arg6 : memref<128x768xf32, #tpu.memory_space<vmem>>) target(%dma_start3A_5 : memref<4096x768xf32, #tpu.memory_space<hbm>>) offsets(%arg5 : memref<128xi32, #tpu.memory_space<vmem>>) semaphore(%arg7 : memref<!tpu.dma_semaphore, #tpu.memory_space<semaphore_mem>>)
    %dma_wait3A = arith.constant 0 : i32
    %dma_wait3A_6 = arith.constant 0 : i32
    %dma_wait3A_7 = tpu.memref_slice %arg4[%dma_wait3A, %dma_wait3A_6] : memref<4096x768xf32, #tpu.memory_space<hbm>> -> memref<4096x768xf32, #tpu.memory_space<hbm>>
    tpu.wait_indirect_dma semaphore(%arg7 : memref<!tpu.dma_semaphore, #tpu.memory_space<semaphore_mem>>) src(%arg6 : memref<128x768xf32, #tpu.memory_space<vmem>>) dst(%dma_wait3A_7 : memref<4096x768xf32, #tpu.memory_space<hbm>>)
    return
  }
}

module attributes {stable_mosaic.version = 14 : i64} {
  func.func @_plan_body(%arg0: memref<2048x768xf32, #tpu.memory_space<vmem>>, %arg1: memref<64x768xf32, #tpu.memory_space<vmem>>, %arg2: memref<1x64xf32, #tpu.memory_space<vmem>>, %arg3: memref<8x128xi32, #tpu.memory_space<vmem>>, %arg4: memref<4096x1xi32, #tpu.memory_space<vmem>>, %arg5: memref<2048x1xf32, #tpu.memory_space<vmem>>, %arg6: memref<2048x1xf32, #tpu.memory_space<vmem>>, %arg7: memref<4096x1xi32, #tpu.memory_space<vmem>>) attributes {dimension_semantics = [], scalar_prefetch = 0 : i64, scratch_operands = 1 : i64, tpu.core_type = #tpu.core_type<tc>} {
    %get3A = arith.constant 0 : index
    %get3A_0 = arith.constant 0 : index
    %get3A_1 = vector.load %arg0[%get3A, %get3A_0] : memref<2048x768xf32, #tpu.memory_space<vmem>>, vector<2048x768xf32>
    %get3A_2 = arith.constant 0 : index
    %get3A_3 = arith.constant 0 : index
    %get3A_4 = vector.load %arg1[%get3A_2, %get3A_3] : memref<64x768xf32, #tpu.memory_space<vmem>>, vector<64x768xf32>
    %dot_general3A = arith.constant dense<0.000000e+00> : vector<2048x64xf32>
    %dot_general3A_5 = tpu.matmul %get3A_1, %get3A_4, %dot_general3A {dimension_numbers = #tpu.dot_dimension_numbers<[1], [1], [0], [0], [0, 0, 1, 0], [], []>, transpose_lhs_hint = false} : vector<2048x768xf32>, vector<64x768xf32>, vector<2048x64xf32> -> vector<2048x64xf32>
    %get3A_6 = arith.constant 0 : index
    %get3A_7 = arith.constant 0 : index
    %get3A_8 = vector.load %arg2[%get3A_6, %get3A_7] : memref<1x64xf32, #tpu.memory_space<vmem>>, vector<1x64xf32>
    %add3A = vector.broadcast %get3A_8 : vector<1x64xf32> to vector<2048x64xf32>
    %add3A_9 = arith.addf %dot_general3A_5, %add3A : vector<2048x64xf32>
    %logistic3A = arith.negf %add3A_9 : vector<2048x64xf32>
    %logistic3A_10 = math.exp %logistic3A : vector<2048x64xf32>
    %logistic3A_11 = arith.constant 1.000000e+00 : f32
    %logistic3A_12 = vector.broadcast %logistic3A_11 : f32 to vector<2048x64xf32>
    %logistic3A_13 = arith.addf %logistic3A_12, %logistic3A_10 : vector<2048x64xf32>
    %logistic3A_14 = arith.divf %logistic3A_12, %logistic3A_13 : vector<2048x64xf32>
    %iota3A = tpu.iota {dimensions = array<i32: 1>} : vector<2048x64xi32>
    %reduce_max3A = arith.constant dense<0xFF800000> : vector<2048xf32>
    %reduce_max3A_15 = vector.multi_reduction <maximumf>, %logistic3A_14, %reduce_max3A [1] : vector<2048x64xf32> to vector<2048xf32>
    %broadcast_in_dim3A = vector.shape_cast %reduce_max3A_15 : vector<2048xf32> to vector<2048x1xf32>
    %eq3A = vector.broadcast %broadcast_in_dim3A : vector<2048x1xf32> to vector<2048x64xf32>
    %eq3A_16 = arith.cmpf oeq, %logistic3A_14, %eq3A : vector<2048x64xf32>
    %jit3A = arith.constant 1073741824 : i32
    %broadcast_in_dim3A_17 = vector.broadcast %jit3A : i32 to vector<2048x64xi32>
    %select_n3A = arith.select %eq3A_16, %iota3A, %broadcast_in_dim3A_17 : vector<2048x64xi1>, vector<2048x64xi32>
    %reduce_min3A = arith.constant dense<2147483647> : vector<2048xi32>
    %reduce_min3A_18 = vector.multi_reduction <minsi>, %select_n3A, %reduce_min3A [1] : vector<2048x64xi32> to vector<2048xi32>
    %broadcast_in_dim3A_19 = vector.shape_cast %reduce_min3A_18 : vector<2048xi32> to vector<2048x1xi32>
    %eq3A_20 = vector.broadcast %broadcast_in_dim3A_19 : vector<2048x1xi32> to vector<2048x64xi32>
    %eq3A_21 = arith.cmpi eq, %iota3A, %eq3A_20 : vector<2048x64xi32>
    %jit3A_22 = arith.constant 0xFF800000 : f32
    %broadcast_in_dim3A_23 = vector.broadcast %jit3A_22 : f32 to vector<2048x64xf32>
    %select_n3A_24 = arith.select %eq3A_21, %broadcast_in_dim3A_23, %logistic3A_14 : vector<2048x64xi1>, vector<2048x64xf32>
    %reduce_max3A_25 = arith.constant dense<0xFF800000> : vector<2048xf32>
    %reduce_max3A_26 = vector.multi_reduction <maximumf>, %select_n3A_24, %reduce_max3A_25 [1] : vector<2048x64xf32> to vector<2048xf32>
    %broadcast_in_dim3A_27 = vector.shape_cast %reduce_max3A_26 : vector<2048xf32> to vector<2048x1xf32>
    %eq3A_28 = vector.broadcast %broadcast_in_dim3A_27 : vector<2048x1xf32> to vector<2048x64xf32>
    %eq3A_29 = arith.cmpf oeq, %select_n3A_24, %eq3A_28 : vector<2048x64xf32>
    %jit3A_30 = arith.constant 1073741824 : i32
    %broadcast_in_dim3A_31 = vector.broadcast %jit3A_30 : i32 to vector<2048x64xi32>
    %select_n3A_32 = arith.select %eq3A_29, %iota3A, %broadcast_in_dim3A_31 : vector<2048x64xi1>, vector<2048x64xi32>
    %reduce_min3A_33 = arith.constant dense<2147483647> : vector<2048xi32>
    %reduce_min3A_34 = vector.multi_reduction <minsi>, %select_n3A_32, %reduce_min3A_33 [1] : vector<2048x64xi32> to vector<2048xi32>
    %broadcast_in_dim3A_35 = vector.shape_cast %reduce_min3A_34 : vector<2048xi32> to vector<2048x1xi32>
    %add3A_36 = arith.addf %broadcast_in_dim3A, %broadcast_in_dim3A_27 : vector<2048x1xf32>
    %div3A = arith.divf %broadcast_in_dim3A, %add3A_36 : vector<2048x1xf32>
    %swap3A = arith.constant 0 : index
    %swap3A_37 = arith.constant 0 : index
    %swap3A_38 = vector.load %arg5[%swap3A, %swap3A_37] : memref<2048x1xf32, #tpu.memory_space<vmem>>, vector<2048x1xf32>
    tpu.vector_store %arg5[%swap3A, %swap3A_37], %div3A {strides = array<i32>} : memref<2048x1xf32, #tpu.memory_space<vmem>>, vector<2048x1xf32>,
    %div3A_39 = arith.divf %broadcast_in_dim3A_27, %add3A_36 : vector<2048x1xf32>
    %swap3A_40 = arith.constant 0 : index
    %swap3A_41 = arith.constant 0 : index
    %swap3A_42 = vector.load %arg6[%swap3A_40, %swap3A_41] : memref<2048x1xf32, #tpu.memory_space<vmem>>, vector<2048x1xf32>
    tpu.vector_store %arg6[%swap3A_40, %swap3A_41], %div3A_39 {strides = array<i32>} : memref<2048x1xf32, #tpu.memory_space<vmem>>, vector<2048x1xf32>,
    %swap3A_43 = arith.constant 0 : index
    %swap3A_44 = arith.constant 0 : index
    %swap3A_45 = vector.load %arg7[%swap3A_43, %swap3A_44] : memref<4096x1xi32, #tpu.memory_space<vmem>>, vector<2048x1xi32>
    tpu.vector_store %arg7[%swap3A_43, %swap3A_44], %broadcast_in_dim3A_19 {strides = array<i32>} : memref<4096x1xi32, #tpu.memory_space<vmem>>, vector<2048x1xi32>,
    %swap3A_46 = arith.constant 2048 : index
    %swap3A_47 = arith.constant 0 : index
    %swap3A_48 = vector.load %arg7[%swap3A_46, %swap3A_47] : memref<4096x1xi32, #tpu.memory_space<vmem>>, vector<2048x1xi32>
    tpu.vector_store %arg7[%swap3A_46, %swap3A_47], %broadcast_in_dim3A_35 {strides = array<i32>} : memref<4096x1xi32, #tpu.memory_space<vmem>>, vector<2048x1xi32>,
    %eq3A_49 = vector.broadcast %broadcast_in_dim3A_19 : vector<2048x1xi32> to vector<2048x64xi32>
    %eq3A_50 = arith.cmpi eq, %eq3A_49, %iota3A : vector<2048x64xi32>
    %convert_element_type3A = arith.extui %eq3A_50 : vector<2048x64xi1> to vector<2048x64xi32>
    %convert_element_type3A_51 = arith.sitofp %convert_element_type3A : vector<2048x64xi32> to vector<2048x64xf32>
    %eq3A_52 = vector.broadcast %broadcast_in_dim3A_35 : vector<2048x1xi32> to vector<2048x64xi32>
    %eq3A_53 = arith.cmpi eq, %eq3A_52, %iota3A : vector<2048x64xi32>
    %convert_element_type3A_54 = arith.extui %eq3A_53 : vector<2048x64xi1> to vector<2048x64xi32>
    %convert_element_type3A_55 = arith.sitofp %convert_element_type3A_54 : vector<2048x64xi32> to vector<2048x64xf32>
    %reduce_sum3A = arith.constant dense<0.000000e+00> : vector<64xf32>
    %reduce_sum3A_56 = vector.multi_reduction <add>, %convert_element_type3A_51, %reduce_sum3A [0] : vector<2048x64xf32> to vector<64xf32>
    %broadcast_in_dim3A_57 = vector.shape_cast %reduce_sum3A_56 : vector<64xf32> to vector<1x64xf32>
    %reduce_sum3A_58 = arith.constant dense<0.000000e+00> : vector<64xf32>
    %reduce_sum3A_59 = vector.multi_reduction <add>, %convert_element_type3A_55, %reduce_sum3A_58 [0] : vector<2048x64xf32> to vector<64xf32>
    %broadcast_in_dim3A_60 = vector.shape_cast %reduce_sum3A_59 : vector<64xf32> to vector<1x64xf32>
    %add3A_61 = arith.addf %broadcast_in_dim3A_57, %broadcast_in_dim3A_60 : vector<1x64xf32>
    %iota3A_62 = tpu.iota {dimensions = array<i32: 0>} : vector<64x64xi32>
    %iota3A_63 = tpu.iota {dimensions = array<i32: 1>} : vector<64x64xi32>
    %lt3A = arith.cmpi slt, %iota3A_62, %iota3A_63 : vector<64x64xi32>
    %convert_element_type3A_64 = arith.extui %lt3A : vector<64x64xi1> to vector<64x64xi32>
    %convert_element_type3A_65 = arith.sitofp %convert_element_type3A_64 : vector<64x64xi32> to vector<64x64xf32>
    %transpose3A = tpu.transpose %convert_element_type3A_65, [1, 0] : vector<64x64xf32> -> vector<64x64xf32>
    %dot_general3A_66 = arith.constant dense<0.000000e+00> : vector<1x64xf32>
    %dot_general3A_67 = tpu.matmul %add3A_61, %transpose3A, %dot_general3A_66 {dimension_numbers = #tpu.dot_dimension_numbers<[1], [1], [0], [0], [0, 0, 1, 0], [], []>, transpose_lhs_hint = false} : vector<1x64xf32>, vector<64x64xf32>, vector<1x64xf32> -> vector<1x64xf32>
    %add3A_68 = arith.addf %dot_general3A_67, %add3A_61 : vector<1x64xf32>
    %iota3A_69 = tpu.iota {dimensions = array<i32: 0>} : vector<512x512xi32>
    %iota3A_70 = tpu.iota {dimensions = array<i32: 1>} : vector<512x512xi32>
    %lt3A_71 = arith.cmpi slt, %iota3A_70, %iota3A_69 : vector<512x512xi32>
    %convert_element_type3A_72 = arith.extui %lt3A_71 : vector<512x512xi1> to vector<512x512xi32>
    %convert_element_type3A_73 = arith.sitofp %convert_element_type3A_72 : vector<512x512xi32> to vector<512x512xf32>
    %iota3A_74 = tpu.iota {dimensions = array<i32: 1>} : vector<512x64xi32>
    %broadcast_in_dim3A_75 = arith.constant 0.000000e+00 : f32
    %broadcast_in_dim3A_76 = vector.broadcast %broadcast_in_dim3A_75 : f32 to vector<1x64xf32>
    %scan3A = arith.constant 0 : i32
    %scan3A_77 = arith.constant 8 : i32
    %scan3A_78 = arith.addi %scan3A, %scan3A_77 : i32
    %scan3A_79 = arith.constant 1 : i32
    %scan3A_80 = scf.for %scan3A_197 = %scan3A to %scan3A_78 step %scan3A_79 iter_args(%scan3A_198 = %broadcast_in_dim3A_76) -> (vector<1x64xf32>)  : i32 {
      %mul3A_199 = arith.constant 512 : i32
      %mul3A_200 = arith.muli %scan3A_197, %mul3A_199 : i32
      %get3A_201 = arith.index_cast %mul3A_200 : i32 to index
      %get3A_202 = arith.constant 0 : index
      %get3A_203 = vector.load %arg7[%get3A_201, %get3A_202] : memref<4096x1xi32, #tpu.memory_space<vmem>>, vector<512x1xi32>
      %eq3A_204 = vector.broadcast %get3A_203 : vector<512x1xi32> to vector<512x64xi32>
      %eq3A_205 = arith.cmpi eq, %eq3A_204, %iota3A_74 : vector<512x64xi32>
      %convert_element_type3A_206 = arith.extui %eq3A_205 : vector<512x64xi1> to vector<512x64xi32>
      %convert_element_type3A_207 = arith.sitofp %convert_element_type3A_206 : vector<512x64xi32> to vector<512x64xf32>
      %dot_general3A_208 = arith.constant dense<0.000000e+00> : vector<512x64xf32>
      %dot_general3A_209 = tpu.matmul %convert_element_type3A_73, %convert_element_type3A_207, %dot_general3A_208 {dimension_numbers = #tpu.dot_dimension_numbers<[1], [0], [0], [1], [0, 0, 1, 1], [], []>, transpose_lhs_hint = false} : vector<512x512xf32>, vector<512x64xf32>, vector<512x64xf32> -> vector<512x64xf32>
      %add3A_210 = arith.addf %dot_general3A_67, %scan3A_198 : vector<1x64xf32>
      %add3A_211 = vector.broadcast %add3A_210 : vector<1x64xf32> to vector<512x64xf32>
      %add3A_212 = arith.addf %add3A_211, %dot_general3A_209 : vector<512x64xf32>
      %mul3A_213 = arith.mulf %convert_element_type3A_207, %add3A_212 : vector<512x64xf32>
      %reduce_sum3A_214 = arith.constant dense<0.000000e+00> : vector<512xf32>
      %reduce_sum3A_215 = vector.multi_reduction <add>, %mul3A_213, %reduce_sum3A_214 [1] : vector<512x64xf32> to vector<512xf32>
      %broadcast_in_dim3A_216 = vector.shape_cast %reduce_sum3A_215 : vector<512xf32> to vector<512x1xf32>
      %convert_element_type3A_217 = arith.fptosi %broadcast_in_dim3A_216 : vector<512x1xf32> to vector<512x1xi32>
      %mul3A_218 = arith.constant 512 : i32
      %mul3A_219 = arith.muli %scan3A_197, %mul3A_218 : i32
      %swap3A_220 = arith.index_cast %mul3A_219 : i32 to index
      %swap3A_221 = arith.constant 0 : index
      %swap3A_222 = vector.load %arg4[%swap3A_220, %swap3A_221] : memref<4096x1xi32, #tpu.memory_space<vmem>>, vector<512x1xi32>
      tpu.vector_store %arg4[%swap3A_220, %swap3A_221], %convert_element_type3A_217 {strides = array<i32>} : memref<4096x1xi32, #tpu.memory_space<vmem>>, vector<512x1xi32>,
      %reduce_sum3A_223 = arith.constant dense<0.000000e+00> : vector<64xf32>
      %reduce_sum3A_224 = vector.multi_reduction <add>, %convert_element_type3A_207, %reduce_sum3A_223 [0] : vector<512x64xf32> to vector<64xf32>
      %broadcast_in_dim3A_225 = vector.shape_cast %reduce_sum3A_224 : vector<64xf32> to vector<1x64xf32>
      %add3A_226 = arith.addf %scan3A_198, %broadcast_in_dim3A_225 : vector<1x64xf32>
      scf.yield %add3A_226 : vector<1x64xf32>
    }
    %scan3A_81 = arith.constant 8 : i32
    %reshape3A = vector.shape_cast %dot_general3A_67 : vector<1x64xf32> to vector<64x1xf32>
    %reshape3A_82 = vector.shape_cast %add3A_61 : vector<1x64xf32> to vector<64x1xf32>
    %reshape3A_83 = vector.shape_cast %add3A_68 : vector<1x64xf32> to vector<64x1xf32>
    %div3A_84 = arith.constant 2.560000e+02 : f32
    %div3A_85 = vector.broadcast %div3A_84 : f32 to vector<64x1xf32>
    %div3A_86 = arith.divf %reshape3A, %div3A_85 : vector<64x1xf32>
    %floor3A = math.floor %div3A_86 : vector<64x1xf32>
    %sub3A = arith.constant 1.000000e+00 : f32
    %sub3A_87 = vector.broadcast %sub3A : f32 to vector<64x1xf32>
    %sub3A_88 = arith.subf %reshape3A_83, %sub3A_87 : vector<64x1xf32>
    %div3A_89 = arith.constant 2.560000e+02 : f32
    %div3A_90 = vector.broadcast %div3A_89 : f32 to vector<64x1xf32>
    %div3A_91 = arith.divf %sub3A_88, %div3A_90 : vector<64x1xf32>
    %floor3A_92 = math.floor %div3A_91 : vector<64x1xf32>
    %gt3A = arith.constant 0.000000e+00 : f32
    %gt3A_93 = vector.broadcast %gt3A : f32 to vector<64x1xf32>
    %gt3A_94 = arith.cmpf ogt, %reshape3A_82, %gt3A_93 : vector<64x1xf32>
    %sub3A_95 = arith.subf %floor3A_92, %floor3A : vector<64x1xf32>
    %add3A_96 = arith.constant 1.000000e+00 : f32
    %add3A_97 = vector.broadcast %add3A_96 : f32 to vector<64x1xf32>
    %add3A_98 = arith.addf %sub3A_95, %add3A_97 : vector<64x1xf32>
    %jit3A_99 = arith.constant 0.000000e+00 : f32
    %broadcast_in_dim3A_100 = vector.broadcast %jit3A_99 : f32 to vector<64x1xf32>
    %select_n3A_101 = arith.select %gt3A_94, %add3A_98, %broadcast_in_dim3A_100 : vector<64x1xi1>, vector<64x1xf32>
    %reshape3A_102 = vector.shape_cast %select_n3A_101 : vector<64x1xf32> to vector<1x64xf32>
    %transpose3A_103 = tpu.transpose %convert_element_type3A_65, [1, 0] : vector<64x64xf32> -> vector<64x64xf32>
    %dot_general3A_104 = arith.constant dense<0.000000e+00> : vector<1x64xf32>
    %dot_general3A_105 = tpu.matmul %reshape3A_102, %transpose3A_103, %dot_general3A_104 {dimension_numbers = #tpu.dot_dimension_numbers<[1], [1], [0], [0], [0, 0, 1, 0], [], []>, transpose_lhs_hint = false} : vector<1x64xf32>, vector<64x64xf32>, vector<1x64xf32> -> vector<1x64xf32>
    %reshape3A_106 = vector.shape_cast %dot_general3A_105 : vector<1x64xf32> to vector<64x1xf32>
    %reduce_sum3A_107 = vector.shape_cast %select_n3A_101 : vector<64x1xf32> to vector<1x64x1xf32>
    %reduce_sum3A_108 = arith.constant dense<0.000000e+00> : vector<1xf32>
    %reduce_sum3A_109 = vector.multi_reduction <add>, %reduce_sum3A_107, %reduce_sum3A_108 [1, 2] : vector<1x64x1xf32> to vector<1xf32>
    %reduce_sum3A_110 = vector.shape_cast %reduce_sum3A_109 : vector<1xf32> to vector<1x1x1xf32>
    %reduce_sum3A_111 = vector.extract %reduce_sum3A_110[0, 0, 0] : f32 from vector<1x1x1xf32>
    %iota3A_112 = tpu.iota {dimensions = array<i32: 1>} : vector<1x128xi32>
    %convert_element_type3A_113 = arith.sitofp %iota3A_112 : vector<1x128xi32> to vector<1x128xf32>
    %le3A = vector.broadcast %reshape3A_106 : vector<64x1xf32> to vector<64x128xf32>
    %le3A_114 = vector.broadcast %convert_element_type3A_113 : vector<1x128xf32> to vector<64x128xf32>
    %le3A_115 = arith.cmpf ole, %le3A, %le3A_114 : vector<64x128xf32>
    %convert_element_type3A_116 = arith.extui %le3A_115 : vector<64x128xi1> to vector<64x128xi32>
    %convert_element_type3A_117 = arith.sitofp %convert_element_type3A_116 : vector<64x128xi32> to vector<64x128xf32>
    %reduce_sum3A_118 = arith.constant dense<0.000000e+00> : vector<128xf32>
    %reduce_sum3A_119 = vector.multi_reduction <add>, %convert_element_type3A_117, %reduce_sum3A_118 [0] : vector<64x128xf32> to vector<128xf32>
    %broadcast_in_dim3A_120 = vector.shape_cast %reduce_sum3A_119 : vector<128xf32> to vector<1x128xf32>
    %sub3A_121 = arith.constant 1.000000e+00 : f32
    %sub3A_122 = vector.broadcast %sub3A_121 : f32 to vector<1x128xf32>
    %sub3A_123 = arith.subf %broadcast_in_dim3A_120, %sub3A_122 : vector<1x128xf32>
    %iota3A_124 = tpu.iota {dimensions = array<i32: 0>} : vector<64x128xi32>
    %convert_element_type3A_125 = arith.sitofp %iota3A_124 : vector<64x128xi32> to vector<64x128xf32>
    %eq3A_126 = vector.broadcast %sub3A_123 : vector<1x128xf32> to vector<64x128xf32>
    %eq3A_127 = arith.cmpf oeq, %convert_element_type3A_125, %eq3A_126 : vector<64x128xf32>
    %convert_element_type3A_128 = arith.extui %eq3A_127 : vector<64x128xi1> to vector<64x128xi32>
    %convert_element_type3A_129 = arith.sitofp %convert_element_type3A_128 : vector<64x128xi32> to vector<64x128xf32>
    %mul3A = vector.broadcast %floor3A : vector<64x1xf32> to vector<64x128xf32>
    %mul3A_130 = arith.mulf %convert_element_type3A_129, %mul3A : vector<64x128xf32>
    %reduce_sum3A_131 = arith.constant dense<0.000000e+00> : vector<128xf32>
    %reduce_sum3A_132 = vector.multi_reduction <add>, %mul3A_130, %reduce_sum3A_131 [0] : vector<64x128xf32> to vector<128xf32>
    %broadcast_in_dim3A_133 = vector.shape_cast %reduce_sum3A_132 : vector<128xf32> to vector<1x128xf32>
    %add3A_134 = arith.addf %broadcast_in_dim3A_133, %convert_element_type3A_113 : vector<1x128xf32>
    %mul3A_135 = vector.broadcast %reshape3A_106 : vector<64x1xf32> to vector<64x128xf32>
    %mul3A_136 = arith.mulf %convert_element_type3A_129, %mul3A_135 : vector<64x128xf32>
    %reduce_sum3A_137 = arith.constant dense<0.000000e+00> : vector<128xf32>
    %reduce_sum3A_138 = vector.multi_reduction <add>, %mul3A_136, %reduce_sum3A_137 [0] : vector<64x128xf32> to vector<128xf32>
    %broadcast_in_dim3A_139 = vector.shape_cast %reduce_sum3A_138 : vector<128xf32> to vector<1x128xf32>
    %sub3A_140 = arith.subf %add3A_134, %broadcast_in_dim3A_139 : vector<1x128xf32>
    %mul3A_141 = vector.broadcast %reshape3A : vector<64x1xf32> to vector<64x128xf32>
    %mul3A_142 = arith.mulf %convert_element_type3A_129, %mul3A_141 : vector<64x128xf32>
    %reduce_sum3A_143 = arith.constant dense<0.000000e+00> : vector<128xf32>
    %reduce_sum3A_144 = vector.multi_reduction <add>, %mul3A_142, %reduce_sum3A_143 [0] : vector<64x128xf32> to vector<128xf32>
    %broadcast_in_dim3A_145 = vector.shape_cast %reduce_sum3A_144 : vector<128xf32> to vector<1x128xf32>
    %mul3A_146 = vector.broadcast %reshape3A_83 : vector<64x1xf32> to vector<64x128xf32>
    %mul3A_147 = arith.mulf %convert_element_type3A_129, %mul3A_146 : vector<64x128xf32>
    %reduce_sum3A_148 = arith.constant dense<0.000000e+00> : vector<128xf32>
    %reduce_sum3A_149 = vector.multi_reduction <add>, %mul3A_147, %reduce_sum3A_148 [0] : vector<64x128xf32> to vector<128xf32>
    %broadcast_in_dim3A_150 = vector.shape_cast %reduce_sum3A_149 : vector<128xf32> to vector<1x128xf32>
    %lt3A_151 = vector.broadcast %reduce_sum3A_111 : f32 to vector<1x128xf32>
    %lt3A_152 = arith.cmpf olt, %convert_element_type3A_113, %lt3A_151 : vector<1x128xf32>
    %convert_element_type3A_153 = arith.extui %lt3A_152 : vector<1x128xi1> to vector<1x128xi32>
    %convert_element_type3A_154 = arith.sitofp %convert_element_type3A_153 : vector<1x128xi32> to vector<1x128xf32>
    %sub3A_155 = arith.constant 1.000000e+00 : f32
    %sub3A_156 = arith.subf %reduce_sum3A_111, %sub3A_155 : f32
    %eq3A_157 = vector.broadcast %sub3A_156 : f32 to vector<1x128xf32>
    %eq3A_158 = arith.cmpf oeq, %convert_element_type3A_113, %eq3A_157 : vector<1x128xf32>
    %convert_element_type3A_159 = arith.extui %eq3A_158 : vector<1x128xi1> to vector<1x128xi32>
    %convert_element_type3A_160 = arith.sitofp %convert_element_type3A_159 : vector<1x128xi32> to vector<1x128xf32>
    %mul3A_161 = arith.mulf %convert_element_type3A_160, %sub3A_140 : vector<1x128xf32>
    %reduce_sum3A_162 = arith.constant dense<0.000000e+00> : vector<1xf32>
    %reduce_sum3A_163 = vector.multi_reduction <add>, %mul3A_161, %reduce_sum3A_162 [1] : vector<1x128xf32> to vector<1xf32>
    %broadcast_in_dim3A_164 = vector.shape_cast %reduce_sum3A_163 : vector<1xf32> to vector<1x1xf32>
    %mul3A_165 = arith.mulf %convert_element_type3A_160, %sub3A_123 : vector<1x128xf32>
    %reduce_sum3A_166 = arith.constant dense<0.000000e+00> : vector<1xf32>
    %reduce_sum3A_167 = vector.multi_reduction <add>, %mul3A_165, %reduce_sum3A_166 [1] : vector<1x128xf32> to vector<1xf32>
    %broadcast_in_dim3A_168 = vector.shape_cast %reduce_sum3A_167 : vector<1xf32> to vector<1x1xf32>
    %mul3A_169 = arith.mulf %convert_element_type3A_154, %sub3A_140 : vector<1x128xf32>
    %sub3A_170 = arith.constant 1.000000e+00 : f32
    %sub3A_171 = vector.broadcast %sub3A_170 : f32 to vector<1x128xf32>
    %sub3A_172 = arith.subf %sub3A_171, %convert_element_type3A_154 : vector<1x128xf32>
    %mul3A_173 = vector.broadcast %broadcast_in_dim3A_164 : vector<1x1xf32> to vector<1x128xf32>
    %mul3A_174 = arith.mulf %sub3A_172, %mul3A_173 : vector<1x128xf32>
    %add3A_175 = arith.addf %mul3A_169, %mul3A_174 : vector<1x128xf32>
    %mul3A_176 = arith.mulf %convert_element_type3A_154, %sub3A_123 : vector<1x128xf32>
    %sub3A_177 = arith.constant 1.000000e+00 : f32
    %sub3A_178 = vector.broadcast %sub3A_177 : f32 to vector<1x128xf32>
    %sub3A_179 = arith.subf %sub3A_178, %convert_element_type3A_154 : vector<1x128xf32>
    %mul3A_180 = vector.broadcast %broadcast_in_dim3A_168 : vector<1x1xf32> to vector<1x128xf32>
    %mul3A_181 = arith.mulf %sub3A_179, %mul3A_180 : vector<1x128xf32>
    %add3A_182 = arith.addf %mul3A_176, %mul3A_181 : vector<1x128xf32>
    %mul3A_183 = arith.mulf %convert_element_type3A_154, %broadcast_in_dim3A_145 : vector<1x128xf32>
    %mul3A_184 = arith.mulf %convert_element_type3A_154, %broadcast_in_dim3A_150 : vector<1x128xf32>
    %broadcast_in_dim3A_185 = arith.constant -1.000000e+00 : f32
    %broadcast_in_dim3A_186 = vector.broadcast %broadcast_in_dim3A_185 : f32 to vector<1x1xf32>
    %slice3A = vector.extract_strided_slice %add3A_175 {offsets = [0, 0], sizes = [1, 127], strides = [1, 1]} : vector<1x128xf32> to vector<1x127xf32>
    %concatenate3A = tpu.concatenate %broadcast_in_dim3A_186, %slice3A in 1 : vector<1x1xf32>, vector<1x127xf32> -> vector<1x128xf32>
    %ne3A = arith.cmpf one, %add3A_175, %concatenate3A : vector<1x128xf32>
    %convert_element_type3A_187 = arith.extui %ne3A : vector<1x128xi1> to vector<1x128xi32>
    %convert_element_type3A_188 = arith.sitofp %convert_element_type3A_187 : vector<1x128xi32> to vector<1x128xf32>
    %mul3A_189 = arith.mulf %convert_element_type3A_154, %convert_element_type3A_188 : vector<1x128xf32>
    %broadcast_in_dim3A_190 = arith.constant 0.000000e+00 : f32
    %broadcast_in_dim3A_191 = vector.broadcast %broadcast_in_dim3A_190 : f32 to vector<3x128xf32>
    %concatenate3A_192 = tpu.concatenate %add3A_175, %add3A_182, %mul3A_183, %mul3A_184, %mul3A_189, %broadcast_in_dim3A_191 in 0 : vector<1x128xf32>, vector<1x128xf32>, vector<1x128xf32>, vector<1x128xf32>, vector<1x128xf32>, vector<3x128xf32> -> vector<8x128xf32>
    %convert_element_type3A_193 = arith.fptosi %concatenate3A_192 : vector<8x128xf32> to vector<8x128xi32>
    %swap3A_194 = arith.constant 0 : index
    %swap3A_195 = arith.constant 0 : index
    %swap3A_196 = vector.load %arg3[%swap3A_194, %swap3A_195] : memref<8x128xi32, #tpu.memory_space<vmem>>, vector<8x128xi32>
    tpu.vector_store %arg3[%swap3A_194, %swap3A_195], %convert_element_type3A_193 {strides = array<i32>} : memref<8x128xi32, #tpu.memory_space<vmem>>, vector<8x128xi32>,
    return
  }
}

module attributes {stable_mosaic.version = 14 : i64} {
  func.func @_grouped_body(%arg0: i32, %arg1: memref<8x128xi32, #tpu.memory_space<smem>>, %arg2: memref<256x768xf32, #tpu.memory_space<vmem>>, %arg3: memref<1x1536x768xf32, #tpu.memory_space<vmem>>, %arg4: memref<1x1536x768xf32, #tpu.memory_space<vmem>>, %arg5: memref<1x768x1536xf32, #tpu.memory_space<vmem>>, %arg6: memref<256x768xf32, #tpu.memory_space<vmem>>) attributes {dimension_semantics = [#tpu.dimension_semantics<arbitrary>], iteration_bounds = array<i64: 78>, scalar_prefetch = 1 : i64, scratch_operands = 0 : i64, tpu.core_type = #tpu.core_type<tc>, window_params = [{transform_indices = @transform_0, window_bounds = array<i64: 256, 768>}, {transform_indices = @transform_1, window_bounds = array<i64: 1, 1536, 768>}, {transform_indices = @transform_2, window_bounds = array<i64: 1, 1536, 768>}, {transform_indices = @transform_3, window_bounds = array<i64: 1, 768, 1536>}, {transform_indices = @transform_4, window_bounds = array<i64: 256, 768>}]} {
    %get3A = arith.constant 0 : index
    %get3A_0 = arith.index_cast %arg0 : i32 to index
    %get3A_1 = memref.load %arg1[%get3A, %get3A_0] : memref<8x128xi32, #tpu.memory_space<smem>>
    %get3A_2 = arith.constant 2 : index
    %get3A_3 = arith.index_cast %arg0 : i32 to index
    %get3A_4 = memref.load %arg1[%get3A_2, %get3A_3] : memref<8x128xi32, #tpu.memory_space<smem>>
    %get3A_5 = arith.constant 3 : index
    %get3A_6 = arith.index_cast %arg0 : i32 to index
    %get3A_7 = memref.load %arg1[%get3A_5, %get3A_6] : memref<8x128xi32, #tpu.memory_space<smem>>
    %get3A_8 = arith.constant 4 : index
    %get3A_9 = arith.index_cast %arg0 : i32 to index
    %get3A_10 = memref.load %arg1[%get3A_8, %get3A_9] : memref<8x128xi32, #tpu.memory_space<smem>>
    %eq3A = arith.constant 1 : i32
    %eq3A_11 = arith.cmpi eq, %get3A_10, %eq3A : i32
    %convert_element_type3A = arith.extui %eq3A_11 : i1 to i32
    %cond3A = arith.constant 0 : i32
    %cond3A_12 = arith.cmpi ne, %convert_element_type3A, %cond3A : i32
    scf.if %cond3A_12 {
      %broadcast_in_dim3A = arith.constant 0.000000e+00 : f32
      %broadcast_in_dim3A_16 = vector.broadcast %broadcast_in_dim3A : f32 to vector<256x768xf32>
      %swap3A = arith.constant 0 : index
      %swap3A_17 = arith.constant 0 : index
      %swap3A_18 = vector.load %arg6[%swap3A, %swap3A_17] : memref<256x768xf32, #tpu.memory_space<vmem>>, vector<256x768xf32>
      tpu.vector_store %arg6[%swap3A, %swap3A_17], %broadcast_in_dim3A_16 {strides = array<i32>} : memref<256x768xf32, #tpu.memory_space<vmem>>, vector<256x768xf32>,
    } else {
    }
    %gt3A = arith.cmpi sgt, %get3A_7, %get3A_4 : i32
    %convert_element_type3A_13 = arith.extui %gt3A : i1 to i32
    %cond3A_14 = arith.constant 0 : i32
    %cond3A_15 = arith.cmpi ne, %convert_element_type3A_13, %cond3A_14 : i32
    scf.if %cond3A_15 {
      %mul3A = arith.constant 256 : i32
      %mul3A_16 = arith.muli %get3A_1, %mul3A : i32
      %iota3A = tpu.iota {dimensions = array<i32: 0>} : vector<256x1xi32>
      %add3A = vector.broadcast %mul3A_16 : i32 to vector<256x1xi32>
      %add3A_17 = arith.addi %add3A, %iota3A : vector<256x1xi32>
      %ge3A = vector.broadcast %get3A_4 : i32 to vector<256x1xi32>
      %ge3A_18 = arith.cmpi sge, %add3A_17, %ge3A : vector<256x1xi32>
      %lt3A = vector.broadcast %get3A_7 : i32 to vector<256x1xi32>
      %lt3A_19 = arith.cmpi slt, %add3A_17, %lt3A : vector<256x1xi32>
      %and3A = arith.andi %ge3A_18, %lt3A_19 : vector<256x1xi1>
      %get3A_20 = arith.constant 0 : index
      %get3A_21 = arith.constant 0 : index
      %get3A_22 = vector.load %arg2[%get3A_20, %get3A_21] : memref<256x768xf32, #tpu.memory_space<vmem>>, vector<256x768xf32>
      %get3A_23 = arith.constant 0 : index
      %get3A_24 = arith.constant 0 : index
      %get3A_25 = arith.constant 0 : index
      %get3A_26 = vector.load %arg3[%get3A_23, %get3A_24, %get3A_25] : memref<1x1536x768xf32, #tpu.memory_space<vmem>>, vector<1x1536x768xf32>
      %get3A_27 = vector.shape_cast %get3A_26 : vector<1x1536x768xf32> to vector<1536x768xf32>
      %dot_general3A = arith.constant dense<0.000000e+00> : vector<256x1536xf32>
      %dot_general3A_28 = tpu.matmul %get3A_22, %get3A_27, %dot_general3A {dimension_numbers = #tpu.dot_dimension_numbers<[1], [1], [0], [0], [0, 0, 1, 0], [], []>, transpose_lhs_hint = false} : vector<256x768xf32>, vector<1536x768xf32>, vector<256x1536xf32> -> vector<256x1536xf32>
      %logistic3A = arith.negf %dot_general3A_28 : vector<256x1536xf32>
      %logistic3A_29 = math.exp %logistic3A : vector<256x1536xf32>
      %logistic3A_30 = arith.constant 1.000000e+00 : f32
      %logistic3A_31 = vector.broadcast %logistic3A_30 : f32 to vector<256x1536xf32>
      %logistic3A_32 = arith.addf %logistic3A_31, %logistic3A_29 : vector<256x1536xf32>
      %logistic3A_33 = arith.divf %logistic3A_31, %logistic3A_32 : vector<256x1536xf32>
      %mul3A_34 = arith.mulf %dot_general3A_28, %logistic3A_33 : vector<256x1536xf32>
      %get3A_35 = arith.constant 0 : index
      %get3A_36 = arith.constant 0 : index
      %get3A_37 = arith.constant 0 : index
      %get3A_38 = vector.load %arg4[%get3A_35, %get3A_36, %get3A_37] : memref<1x1536x768xf32, #tpu.memory_space<vmem>>, vector<1x1536x768xf32>
      %get3A_39 = vector.shape_cast %get3A_38 : vector<1x1536x768xf32> to vector<1536x768xf32>
      %dot_general3A_40 = arith.constant dense<0.000000e+00> : vector<256x1536xf32>
      %dot_general3A_41 = tpu.matmul %get3A_22, %get3A_39, %dot_general3A_40 {dimension_numbers = #tpu.dot_dimension_numbers<[1], [1], [0], [0], [0, 0, 1, 0], [], []>, transpose_lhs_hint = false} : vector<256x768xf32>, vector<1536x768xf32>, vector<256x1536xf32> -> vector<256x1536xf32>
      %mul3A_42 = arith.mulf %mul3A_34, %dot_general3A_41 : vector<256x1536xf32>
      %get3A_43 = arith.constant 0 : index
      %get3A_44 = arith.constant 0 : index
      %get3A_45 = arith.constant 0 : index
      %get3A_46 = vector.load %arg5[%get3A_43, %get3A_44, %get3A_45] : memref<1x768x1536xf32, #tpu.memory_space<vmem>>, vector<1x768x1536xf32>
      %get3A_47 = vector.shape_cast %get3A_46 : vector<1x768x1536xf32> to vector<768x1536xf32>
      %dot_general3A_48 = arith.constant dense<0.000000e+00> : vector<256x768xf32>
      %dot_general3A_49 = tpu.matmul %mul3A_42, %get3A_47, %dot_general3A_48 {dimension_numbers = #tpu.dot_dimension_numbers<[1], [1], [0], [0], [0, 0, 1, 0], [], []>, transpose_lhs_hint = false} : vector<256x1536xf32>, vector<768x1536xf32>, vector<256x768xf32> -> vector<256x768xf32>
      %get3A_50 = arith.constant 0 : index
      %get3A_51 = arith.constant 0 : index
      %get3A_52 = vector.load %arg6[%get3A_50, %get3A_51] : memref<256x768xf32, #tpu.memory_space<vmem>>, vector<256x768xf32>
      %jit3A = arith.constant 0.000000e+00 : f32
      %broadcast_in_dim3A = vector.shape_cast %and3A : vector<256x1xi1> to vector<256x1xi1>
      %broadcast_in_dim3A_53 = vector.broadcast %broadcast_in_dim3A : vector<256x1xi1> to vector<256x768xi1>
      %broadcast_in_dim3A_54 = vector.broadcast %jit3A : f32 to vector<256x768xf32>
      %select_n3A = arith.select %broadcast_in_dim3A_53, %dot_general3A_49, %broadcast_in_dim3A_54 : vector<256x768xi1>, vector<256x768xf32>
      %add3A_55 = arith.addf %get3A_52, %select_n3A : vector<256x768xf32>
      %swap3A = arith.constant 0 : index
      %swap3A_56 = arith.constant 0 : index
      %swap3A_57 = vector.load %arg6[%swap3A, %swap3A_56] : memref<256x768xf32, #tpu.memory_space<vmem>>, vector<256x768xf32>
      tpu.vector_store %arg6[%swap3A, %swap3A_56], %add3A_55 {strides = array<i32>} : memref<256x768xf32, #tpu.memory_space<vmem>>, vector<256x768xf32>,
    } else {
    }
    return
  }
  func.func @transform_0(%arg0: i32, %arg1: memref<8x128xi32, #tpu.memory_space<smem>>) -> (i32, i32) {
    %get3A = arith.constant 0 : index
    %get3A_0 = arith.index_cast %arg0 : i32 to index
    %get3A_1 = memref.load %arg1[%get3A, %get3A_0] : memref<8x128xi32, #tpu.memory_space<smem>>
    %c0_i32 = arith.constant 0 : i32
    %c0_i32_2 = arith.constant 0 : i32
    return %get3A_1, %c0_i32 : i32, i32
  }
  func.func @transform_1(%arg0: i32, %arg1: memref<8x128xi32, #tpu.memory_space<smem>>) -> (i32, i32, i32) {
    %get3A = arith.constant 1 : index
    %get3A_0 = arith.index_cast %arg0 : i32 to index
    %get3A_1 = memref.load %arg1[%get3A, %get3A_0] : memref<8x128xi32, #tpu.memory_space<smem>>
    %c0_i32 = arith.constant 0 : i32
    %c0_i32_2 = arith.constant 0 : i32
    %c0_i32_3 = arith.constant 0 : i32
    return %get3A_1, %c0_i32, %c0_i32_2 : i32, i32, i32
  }
  func.func @transform_2(%arg0: i32, %arg1: memref<8x128xi32, #tpu.memory_space<smem>>) -> (i32, i32, i32) {
    %get3A = arith.constant 1 : index
    %get3A_0 = arith.index_cast %arg0 : i32 to index
    %get3A_1 = memref.load %arg1[%get3A, %get3A_0] : memref<8x128xi32, #tpu.memory_space<smem>>
    %c0_i32 = arith.constant 0 : i32
    %c0_i32_2 = arith.constant 0 : i32
    %c0_i32_3 = arith.constant 0 : i32
    return %get3A_1, %c0_i32, %c0_i32_2 : i32, i32, i32
  }
  func.func @transform_3(%arg0: i32, %arg1: memref<8x128xi32, #tpu.memory_space<smem>>) -> (i32, i32, i32) {
    %get3A = arith.constant 1 : index
    %get3A_0 = arith.index_cast %arg0 : i32 to index
    %get3A_1 = memref.load %arg1[%get3A, %get3A_0] : memref<8x128xi32, #tpu.memory_space<smem>>
    %c0_i32 = arith.constant 0 : i32
    %c0_i32_2 = arith.constant 0 : i32
    %c0_i32_3 = arith.constant 0 : i32
    return %get3A_1, %c0_i32, %c0_i32_2 : i32, i32, i32
  }
  func.func @transform_4(%arg0: i32, %arg1: memref<8x128xi32, #tpu.memory_space<smem>>) -> (i32, i32) {
    %get3A = arith.constant 0 : index
    %get3A_0 = arith.index_cast %arg0 : i32 to index
    %get3A_1 = memref.load %arg1[%get3A, %get3A_0] : memref<8x128xi32, #tpu.memory_space<smem>>
    %c0_i32 = arith.constant 0 : i32
    %c0_i32_2 = arith.constant 0 : i32
    return %get3A_1, %c0_i32 : i32, i32
  }
}

module attributes {stable_mosaic.version = 14 : i64} {
  func.func @_shared_body(%arg0: i32, %arg1: memref<256x768xf32, #tpu.memory_space<vmem>>, %arg2: memref<1536x768xf32, #tpu.memory_space<vmem>>, %arg3: memref<1536x768xf32, #tpu.memory_space<vmem>>, %arg4: memref<768x1536xf32, #tpu.memory_space<vmem>>, %arg5: memref<256x768xf32, #tpu.memory_space<vmem>>, %arg6: memref<256x768xf32, #tpu.memory_space<vmem>>, %arg7: memref<2048x1xf32, #tpu.memory_space<vmem>>, %arg8: memref<2048x1xf32, #tpu.memory_space<vmem>>, %arg9: memref<256x768xf32, #tpu.memory_space<vmem>>) attributes {dimension_semantics = [#tpu.dimension_semantics<arbitrary>], iteration_bounds = array<i64: 8>, scalar_prefetch = 0 : i64, scratch_operands = 0 : i64, tpu.core_type = #tpu.core_type<tc>, window_params = [{transform_indices = @transform_0, window_bounds = array<i64: 256, 768>}, {pipeline_mode = #tpu.pipeline_mode<synchronous>, transform_indices = @transform_1, window_bounds = array<i64: 1536, 768>}, {pipeline_mode = #tpu.pipeline_mode<synchronous>, transform_indices = @transform_2, window_bounds = array<i64: 1536, 768>}, {pipeline_mode = #tpu.pipeline_mode<synchronous>, transform_indices = @transform_3, window_bounds = array<i64: 768, 1536>}, {transform_indices = @transform_4, window_bounds = array<i64: 256, 768>}, {transform_indices = @transform_5, window_bounds = array<i64: 256, 768>}, {pipeline_mode = #tpu.pipeline_mode<synchronous>, transform_indices = @transform_6, window_bounds = array<i64: 2048, 1>}, {pipeline_mode = #tpu.pipeline_mode<synchronous>, transform_indices = @transform_7, window_bounds = array<i64: 2048, 1>}, {transform_indices = @transform_8, window_bounds = array<i64: 256, 768>}]} {
    %get3A = arith.constant 0 : index
    %get3A_0 = arith.constant 0 : index
    %get3A_1 = vector.load %arg1[%get3A, %get3A_0] : memref<256x768xf32, #tpu.memory_space<vmem>>, vector<256x768xf32>
    %get3A_2 = arith.constant 0 : index
    %get3A_3 = arith.constant 0 : index
    %get3A_4 = vector.load %arg2[%get3A_2, %get3A_3] : memref<1536x768xf32, #tpu.memory_space<vmem>>, vector<1536x768xf32>
    %dot_general3A = arith.constant dense<0.000000e+00> : vector<256x1536xf32>
    %dot_general3A_5 = tpu.matmul %get3A_1, %get3A_4, %dot_general3A {dimension_numbers = #tpu.dot_dimension_numbers<[1], [1], [0], [0], [0, 0, 1, 0], [], []>, transpose_lhs_hint = false} : vector<256x768xf32>, vector<1536x768xf32>, vector<256x1536xf32> -> vector<256x1536xf32>
    %logistic3A = arith.negf %dot_general3A_5 : vector<256x1536xf32>
    %logistic3A_6 = math.exp %logistic3A : vector<256x1536xf32>
    %logistic3A_7 = arith.constant 1.000000e+00 : f32
    %logistic3A_8 = vector.broadcast %logistic3A_7 : f32 to vector<256x1536xf32>
    %logistic3A_9 = arith.addf %logistic3A_8, %logistic3A_6 : vector<256x1536xf32>
    %logistic3A_10 = arith.divf %logistic3A_8, %logistic3A_9 : vector<256x1536xf32>
    %mul3A = arith.mulf %dot_general3A_5, %logistic3A_10 : vector<256x1536xf32>
    %get3A_11 = arith.constant 0 : index
    %get3A_12 = arith.constant 0 : index
    %get3A_13 = vector.load %arg3[%get3A_11, %get3A_12] : memref<1536x768xf32, #tpu.memory_space<vmem>>, vector<1536x768xf32>
    %dot_general3A_14 = arith.constant dense<0.000000e+00> : vector<256x1536xf32>
    %dot_general3A_15 = tpu.matmul %get3A_1, %get3A_13, %dot_general3A_14 {dimension_numbers = #tpu.dot_dimension_numbers<[1], [1], [0], [0], [0, 0, 1, 0], [], []>, transpose_lhs_hint = false} : vector<256x768xf32>, vector<1536x768xf32>, vector<256x1536xf32> -> vector<256x1536xf32>
    %mul3A_16 = arith.mulf %mul3A, %dot_general3A_15 : vector<256x1536xf32>
    %get3A_17 = arith.constant 0 : index
    %get3A_18 = arith.constant 0 : index
    %get3A_19 = vector.load %arg4[%get3A_17, %get3A_18] : memref<768x1536xf32, #tpu.memory_space<vmem>>, vector<768x1536xf32>
    %dot_general3A_20 = arith.constant dense<0.000000e+00> : vector<256x768xf32>
    %dot_general3A_21 = tpu.matmul %mul3A_16, %get3A_19, %dot_general3A_20 {dimension_numbers = #tpu.dot_dimension_numbers<[1], [1], [0], [0], [0, 0, 1, 0], [], []>, transpose_lhs_hint = false} : vector<256x1536xf32>, vector<768x1536xf32>, vector<256x768xf32> -> vector<256x768xf32>
    %mul3A_22 = arith.constant 256 : i32
    %mul3A_23 = arith.muli %arg0, %mul3A_22 : i32
    %get3A_24 = arith.index_cast %mul3A_23 : i32 to index
    %get3A_25 = arith.constant 0 : index
    %get3A_26 = vector.load %arg7[%get3A_24, %get3A_25] : memref<2048x1xf32, #tpu.memory_space<vmem>>, vector<256x1xf32>
    %mul3A_27 = arith.constant 256 : i32
    %mul3A_28 = arith.muli %arg0, %mul3A_27 : i32
    %get3A_29 = arith.index_cast %mul3A_28 : i32 to index
    %get3A_30 = arith.constant 0 : index
    %get3A_31 = vector.load %arg8[%get3A_29, %get3A_30] : memref<2048x1xf32, #tpu.memory_space<vmem>>, vector<256x1xf32>
    %get3A_32 = arith.constant 0 : index
    %get3A_33 = arith.constant 0 : index
    %get3A_34 = vector.load %arg5[%get3A_32, %get3A_33] : memref<256x768xf32, #tpu.memory_space<vmem>>, vector<256x768xf32>
    %mul3A_35 = vector.broadcast %get3A_26 : vector<256x1xf32> to vector<256x768xf32>
    %mul3A_36 = arith.mulf %mul3A_35, %get3A_34 : vector<256x768xf32>
    %add3A = arith.addf %dot_general3A_21, %mul3A_36 : vector<256x768xf32>
    %get3A_37 = arith.constant 0 : index
    %get3A_38 = arith.constant 0 : index
    %get3A_39 = vector.load %arg6[%get3A_37, %get3A_38] : memref<256x768xf32, #tpu.memory_space<vmem>>, vector<256x768xf32>
    %mul3A_40 = vector.broadcast %get3A_31 : vector<256x1xf32> to vector<256x768xf32>
    %mul3A_41 = arith.mulf %mul3A_40, %get3A_39 : vector<256x768xf32>
    %add3A_42 = arith.addf %add3A, %mul3A_41 : vector<256x768xf32>
    %swap3A = arith.constant 0 : index
    %swap3A_43 = arith.constant 0 : index
    %swap3A_44 = vector.load %arg9[%swap3A, %swap3A_43] : memref<256x768xf32, #tpu.memory_space<vmem>>, vector<256x768xf32>
    tpu.vector_store %arg9[%swap3A, %swap3A_43], %add3A_42 {strides = array<i32>} : memref<256x768xf32, #tpu.memory_space<vmem>>, vector<256x768xf32>,
    return
  }
  func.func @transform_0(%arg0: i32) -> (i32, i32) {
    %c0_i32 = arith.constant 0 : i32
    %c0_i32_0 = arith.constant 0 : i32
    return %arg0, %c0_i32 : i32, i32
  }
  func.func @transform_1(%arg0: i32) -> (i32, i32) {
    %c0_i32 = arith.constant 0 : i32
    %c0_i32_0 = arith.constant 0 : i32
    %c0_i32_1 = arith.constant 0 : i32
    return %c0_i32, %c0_i32_0 : i32, i32
  }
  func.func @transform_2(%arg0: i32) -> (i32, i32) {
    %c0_i32 = arith.constant 0 : i32
    %c0_i32_0 = arith.constant 0 : i32
    %c0_i32_1 = arith.constant 0 : i32
    return %c0_i32, %c0_i32_0 : i32, i32
  }
  func.func @transform_3(%arg0: i32) -> (i32, i32) {
    %c0_i32 = arith.constant 0 : i32
    %c0_i32_0 = arith.constant 0 : i32
    %c0_i32_1 = arith.constant 0 : i32
    return %c0_i32, %c0_i32_0 : i32, i32
  }
  func.func @transform_4(%arg0: i32) -> (i32, i32) {
    %c0_i32 = arith.constant 0 : i32
    %c0_i32_0 = arith.constant 0 : i32
    return %arg0, %c0_i32 : i32, i32
  }
  func.func @transform_5(%arg0: i32) -> (i32, i32) {
    %c0_i32 = arith.constant 0 : i32
    %c0_i32_0 = arith.constant 0 : i32
    return %arg0, %c0_i32 : i32, i32
  }
  func.func @transform_6(%arg0: i32) -> (i32, i32) {
    %c0_i32 = arith.constant 0 : i32
    %c0_i32_0 = arith.constant 0 : i32
    %c0_i32_1 = arith.constant 0 : i32
    return %c0_i32, %c0_i32_0 : i32, i32
  }
  func.func @transform_7(%arg0: i32) -> (i32, i32) {
    %c0_i32 = arith.constant 0 : i32
    %c0_i32_0 = arith.constant 0 : i32
    %c0_i32_1 = arith.constant 0 : i32
    return %c0_i32, %c0_i32_0 : i32, i32
  }
  func.func @transform_8(%arg0: i32) -> (i32, i32) {
    %c0_i32 = arith.constant 0 : i32
    %c0_i32_0 = arith.constant 0 : i32
    return %arg0, %c0_i32 : i32, i32
  }
}

</mosaic_0001>

<sc_bundles>
// kernel: kernel.10.cloned.1.call-start
scs
__scs_entry_jumppad:
0x0: {  	(pc) =	sbr.rel $0x88, $3  }
0x1: {  	(tag) =	ssettag $0x0;
	lr =	simm.s32 $0x1  }
0x2: {  	[smem:$0x3F98] =	sst lr;
	_ =	strace $0xD0000000  }
0x3: {  	_ = 	snop  }
0x4: {  	_ = 	snop  }
0x5: {  	_ = 	snop  }
0x6: {  	_ = 	snop  }
0x7: {  	_ = 	snop  }
__scs_overlays_trampoline_lowered:
0x8: {  	[smem:$0x3FA7] =	sst s0  }
0x9: {  	[smem:$0x3FA8] =	sst s1  }
0xa: {  	[smem:$0x3FA9] =	sst s2  }
0xb: {  	[smem:$0x3FAA] =	sst s3  }
0xc: {  	[smem:$0x3FAB] =	sst s4  }
0xd: {  	[smem:$0x3FAC] =	sst s5  }
0xe: {  	[smem:$0x3FAD] =	sst s6  }
0xf: {  	[smem:$0x3FAE] =	sst s7  }
0x10: {  	[smem:$0x3FAF] =	sst s8  }
0x11: {  	[smem:$0x3FB0] =	sst s9;
	s0 =	simm.s32 @!p0 $0x0  }
0x12: {  	s1 =	sld [smem:$0x3F96];
	s0 =	simm.s32 @p0 $0x1  }
0x13: {  	[smem:$0x3FB1] =	sst s0;
	s0 =	simm.s32 @!p1 $0x0  }
0x14: {  	s2 =	sld [smem:$0x3F95];
	s0 =	simm.s32 @p1 $0x1  }
0x15: {  	[smem:$0x3FB2] =	sst s0;
	s0 =	simm.s32 @!p2 $0x0  }
0x16: {  	s3 =	sld [smem:$0x3FDB];
	s0 =	simm.s32 @p2 $0x1  }
0x17: {  	s4 =	simm.s32 $0x1BF5;
	[smem:$0x3FB4] =	sst s0  }
0x18: {  	s0 =	sld [smem:$0x3F97];
	_ =	swait.ge [sflag:s4], $0x0  }
0x19: {  	s7 =	sld [smem:$0x3F98]  }
0x1a: {  	s8 =	sadd.s32 $0xFFFFE003, lr  }
0x1b: {  	s9 =	sadd.s32 $0xFFFFFEF7, lr;
	s5 =	simm.s32 $0xFFFFFFFF;
	p2 =	slt.u32 s8, $0xFFFFF086  }
0x1c: {  	p1 =	slt.u32 s9, $0xF7A;
	s5 =	simm.s32 @!p2 $0x0  }
0x1d: {  	s5 =	simm.s32 @p1 $0x1;
	p0 =	seq.s32 s7, s2  }
0x1e: {  	s7 =	smul.u32 @!p0 $0xF7A, s2;
	p2 =	seq.s32 @!p0 s5, $0x0  }
0x1f: {  	s9 =	smul.u32 $0xF7A, s1;
	s8 =	simm.s32 @!p0 $0x1BF5;
	p2 =	por !p2, p0  }
0x20: {  	[sflag:s8] =	ssyncset.s32 @!p0 $0xFFFFF086;
	s6 =	sadd.s32 @!p0 s3, s7;
	s7 =	simm.s32 @!p0 $0x108  }
0x21: {  	s3 =	sadd.s32 s3, s9;
	s6 =	sadd.s32 @!p0 $0x88, s6;
	s7 =	simm.s32 @p2 $0x1082  }
0x22: {  	[simem:s7], [sflag:s8] =	dma.local @!p0 [hbm:s6], $0xF7A  }
0x23: {  	s9 =	sor.u32 $0xD0000000, s2;
	s6 =	simm.s32 $0x108;
	_ =	swait.ge @!p0 [sflag:s8], $0x0  }
0x24: {  	s3 =	sadd.s32 $0x88, s3;
	s6 =	simm.s32 @!p1 $0x1082;
	[sflag:s4] =	ssyncset.s32 $0xFFFFF086  }
0x25: {  	[simem:s6], [sflag:s4] =	dma.local [hbm:s3], $0xF7A  }
0x26: {  	[smem:$0x3F98] =	sst s1;
	(tag) =	ssettag s2;
	_ =	strace s9  }
0x27: {  	s1 =	sld [smem:$0x3FA8]  }
0x28: {  	s2 =	sld [smem:$0x3FA9]  }
0x29: {  	s4 =	sld [smem:$0x3FAB]  }
0x2a: {  	p0 =	seq.s32 s5, $0x0;
	s5 =	sld [smem:$0x3FAC]  }
0x2b: {  	s6 =	sld [smem:$0x3FAD]  }
0x2c: {  	s7 =	sld [smem:$0x3FAE]  }
0x2d: {  	s3 =	simm.s32 $0x108;
	s8 =	sld [smem:$0x3FAF]  }
0x2e: {  	s3 =	simm.s32 @!p0 $0x1082;
	s9 =	sld [smem:$0x3FB0]  }
0x2f: {  	lr =	sadd.s32 s0, s3;
	s0 =	sld [smem:$0x3FA7]  }
0x30: {  	s3 =	sld [smem:$0x3FAA]  }
0x31: {  	[smem:$0x3FB3] =	sst s10  }
0x32: {  	s10 =	sld [smem:$0x3FB1];
	_ =	sdelay $0x3  }
0x33: {  	p0 =	seq.s32 s10, $0x1;
	s10 =	sld [smem:$0x3FB3];
	_ =	sdelay $0x3  }
0x34: {  	[smem:$0x3FB3] =	sst s10  }
0x35: {  	s10 =	sld [smem:$0x3FB2];
	_ =	sdelay $0x3  }
0x36: {  	p1 =	seq.s32 s10, $0x1;
	s10 =	sld [smem:$0x3FB3];
	_ =	sdelay $0x3  }
0x37: {  	[smem:$0x3FB3] =	sst s10  }
0x38: {  	s10 =	sld [smem:$0x3FB4]  }
0x39: {  	_ = 	snop;
	(pc) =	sbr.ind lr, $3  }
0x3a: {  	_ = 	snop  }
0x3b: {  	_ = 	snop  }
0x3c: {  	p2 =	seq.s32 s10, $0x1;
	s10 =	sld [smem:$0x3FB3]  }
0x3d: {  	_ =	shalt  }
0x3e: {  	_ =	shalt  }
0x3f: {  	_ =	shalt  }
0x40: {  	_ =	shalt  }
0x41: {  	_ =	shalt  }
0x42: {  	_ =	shalt  }
0x43: {  	_ =	shalt  }
0x44: {  	_ =	shalt  }
0x45: {  	_ =	shalt  }
0x46: {  	_ =	shalt  }
0x47: {  	_ =	shalt  }
0x48: {  	_ =	shalt  }
0x49: {  	_ =	shalt  }
0x4a: {  	_ =	shalt  }
0x4b: {  	_ =	shalt  }
0x4c: {  	_ =	shalt  }
0x4d: {  	_ =	shalt  }
0x4e: {  	_ =	shalt  }
0x4f: {  	_ =	shalt  }
0x50: {  	_ =	shalt  }
0x51: {  	_ =	shalt  }
0x52: {  	_ =	shalt  }
0x53: {  	_ =	shalt  }
0x54: {  	_ =	shalt  }
0x55: {  	_ =	shalt  }
0x56: {  	_ =	shalt  }
0x57: {  	_ =	shalt  }
0x58: {  	_ =	shalt  }
0x59: {  	_ =	shalt  }
0x5a: {  	_ =	shalt  }
0x5b: {  	_ =	shalt  }
0x5c: {  	_ =	shalt  }
0x5d: {  	_ =	shalt  }
0x5e: {  	_ =	shalt  }
0x5f: {  	_ =	shalt  }
0x60: {  	_ =	shalt  }
0x61: {  	_ =	shalt  }
0x62: {  	_ =	shalt  }
0x63: {  	_ =	shalt  }
0x64: {  	_ =	shalt  }
0x65: {  	_ =	shalt  }
0x66: {  	_ =	shalt  }
0x67: {  	_ =	shalt  }
0x68: {  	_ =	shalt  }
0x69: {  	_ =	shalt  }
0x6a: {  	_ =	shalt  }
0x6b: {  	_ =	shalt  }
0x6c: {  	_ =	shalt  }
0x6d: {  	_ =	shalt  }
0x6e: {  	_ =	shalt  }
0x6f: {  	_ =	shalt  }
0x70: {  	_ =	shalt  }
0x71: {  	_ =	shalt  }
0x72: {  	_ =	shalt  }
0x73: {  	_ =	shalt  }
0x74: {  	_ =	shalt  }
0x75: {  	_ =	shalt  }
0x76: {  	_ =	shalt  }
0x77: {  	_ =	shalt  }
0x78: {  	_ =	shalt  }
0x79: {  	_ =	shalt  }
0x7a: {  	_ =	shalt  }
0x7b: {  	_ =	shalt  }
0x7c: {  	_ =	shalt  }
0x7d: {  	_ =	shalt  }
0x7e: {  	_ =	shalt  }
0x7f: {  	_ =	shalt  }
0x80: {  	_ =	shalt  }
0x81: {  	_ =	shalt  }
0x82: {  	_ =	shalt  }
0x83: {  	_ =	shalt  }
0x84: {  	_ =	shalt  }
0x85: {  	_ =	shalt  }
0x86: {  	_ =	shalt  }
0x87: {  	_ =	shalt  }
.Lfunc_end0:
.L_simem_size_0:
called_computation.1_lowered:
.L_overlay_start_0:
0x88: {  	s2 =	sld [smem:$0x3FD9]  }
0x89: {  	s3 =	sld [smem:$0x3FFE];
	_ =	sdelay $0x1  }
0x8a: {  	s1 =	srdreg.scid  }
0x8b: {  	s0 =	sand.u32 $0x1, s1  }
0x8c: {  	s16 =	sshll.u32 s0, $0xA;
	s2 =	sadd.s32 s3, s2  }
0x8d: {  	s2 =	sadd.s32 s2, s16  }
0x8e: {  	[smem:$0x3FBF] =	sst s2  }
0x8f: {  	_ = 	snop  }
0x90: {  	(tm) =	ssettm $0x1  }
0x91: {  	s17 =	sld [smem:$0x3FFB];
	_ =	sdelay $0x3  }
0x92: {  	_ =	strace s17  }
0x93: {  	s2 =	sld [smem:$0x3FFC];
	_ =	sdelay $0x3  }
0x94: {  	_ =	strace s2  }
0x95: {  	s2 =	sld [smem:$0x3FFD];
	_ =	sdelay $0x3  }
0x96: {  	_ =	strace s2  }
0x97: {  	_ =	strace $0x8FFFFFFF  }
0x98: {  	s18 =	sld [smem:$0x3FDB];
	_ =	sdelay $0x1  }
0x99: {  	s19 =	simm.s32 $_scs_section_size  }
0x9a: {  	s4 =	simm.s32 $_size__tile_overlayer_lowered;
	s5 =	simm.s32 $_tile_overlayer_lowered  }
0x9b: {  	s22 =	simm.s32 $0x1BFF;
	s21 =	sshll.u32 s5, $0x1;
	s2 =	sadd.s32 s19, s18  }
0x9c: {  	s6 =	simm.s32 $0x0;
	s20 =	sshll.u32 s4, $0x1;
	s4 =	sadd.s32 s21, s2  }
0x9d: {  	[timem:s6], [sflag:s22] =	dma.local [hbm:s4], s20  }
0x9e: {  	_ =	swait.ge [sflag:s22], s20  }
0x9f: {  	s3 =	ssub.s32 $0x0, s20;
	[sflag:s22] =	ssyncset.done $0x0  }
0xa0: {  	[sflag:s22] =	ssyncadd.s32 s3;
	_ =	sdelay $0x1  }
0xa1: {  	s23 =	simm.s32 $0x1B8B  }
0xa2: {  	_ =	swait.ge [sflag:s23], $0x1  }
0xa3: {  	[sflag:s23] =	ssyncset.done $0x0  }
0xa4: {  	s25 =	simm.s32 $0x1B8E;
	s24 =	sld [smem:$0x3FFE];
	[sflag:s23] =	ssyncadd.s32 $0xFFFFFFFF  }
0xa5: {  	s26 =	simm.s32 $execute0_lowered;
	[smem:$0x3FD2] =	sst s25  }
0xa6: {  	s4 =	sshll.u32 s26, $0x1;
	_ =	strace $0x80000049;
	[dreg:$0x1] =	wrdreg $0xFFFFFFFF  }
0xa7: {  	s28 =	simm.s32 $_size_execute0_lowered;
	s2 =	sadd.s32 s2, s4;
	[dreg:$0x0] =	wrdreg $0x0  }
0xa8: {  	s4 =	sshll.u32 s28, $0x1;
	[dreg:$0x2] =	wrdreg s2  }
0xa9: {  	[dreg:$0x3] =	wrdreg s4  }
0xaa: {  	[dreg:$0x4] =	wrdreg $0xC0  }
0xab: {  	_ =	task [dreg:s6], $0x5FFFF  }
0xac: {  	[dreg:$0x1] =	wrdreg $0xFFFFFFFF  }
0xad: {  	[dreg:$0x0] =	wrdreg $0x60  }
0xae: {  	[dreg:$0x2] =	wrdreg s24  }
0xaf: {  	[dreg:$0x3] =	wrdreg $0x9  }
0xb0: {  	_ =	task.clear_ibuf [dreg:s6], $0x4FFFF;
	_ =	strace $0x90000049  }
0xb1: {  	s29 =	simm.s32 $0x9;
	_ =	strace $0x8000004B  }
0xb2: {  	_ =	swait.ge [sflag:s29], $0x1  }
0xb3: {  	[sflag:s29] =	ssyncadd.s32 $0xFFFFFFFF  }
0xb4: {  	_ =	strace $0x9000004B  }
0xb5: {  	_ =	sfence  }
0xb6: {  	s30 =	sld [smem:$0x0];
	_ =	sdelay $0x2  }
0xb7: {  	s31 =	sshll.u32 s1, $0xD;
	s1 =	sshrl.u32 s1, $0x2  }
0xb8: {  	s3 =	sand.u32 $0x4000, s31;
	s1 =	sadd.s32 s1, s30  }
0xb9: {  	s0 =	sor.u32 s3, s0;
	s1 =	sshll.u32 s1, $0x11  }
0xba: {  	s0 =	sor.u32 s1, s0  }
0xbb: {  	s0 =	sadd.s32 $0x8F2B, s0  }
0xbc: {  	[sflag:s0] =	ssyncadd.remote.s32 $0x1  }
0xbd: {  	_ =	sfence.sel $0xFFFF  }
0xbe: {  	[dreg:$0x0] =	wrdreg $0xFFFFFFFF;
	(pc) =	sbr.abs _section_cstart, $3  }
0xbf: {  	[dreg:$0x1] =	wrdreg $0xFFFFFFFF  }
0xc0: {  	_ =	task.clear_ibuf [dreg:s6], $0x2FFFF;
	_ =	strace $0x9FFFFFFF  }
0xc1: {  	(tm) =	ssettm $0x7FFFFFFF  }
tec
execute0_lowered:
.L_overlay_start_1:
0x0: {  	(tag) =	ssettag $0x1  }
0x1: {  	s1 =	srdreg.scid  }
0x2: {  	s2 =	simm.s32 $0x0;
	s4 =	sand.u32 $0x1, s1;
	s1 =	rddreg [dreg:$0x0]  }
0x3: {  	s23 =	simm.s32 $0x80;
	[smem:$0x7FF] =	sst s2  }
0x4: {  	s24 =	simm.s32 $0x900;
	_ =	strace $0x8000004A;
	[dreg:$0x6] =	wrdreg s23  }
0x5: {  	s25 =	simm.s32 $0x1100;
	[dreg:$0x7] =	wrdreg s24  }
0x6: {  	s0 =	stileid.u32;
	s26 =	simm.s32 $0x1900;
	[dreg:$0x8] =	wrdreg s25  }
0x7: {  	s3 =	sshll.u32 s0, $0x4;
	s0 =	simm.s32 $0x2100;
	[dreg:$0x9] =	wrdreg s26  }
0x8: {  	s7 =	simm.s32 $0x3900;
	[dreg:$0xa] =	wrdreg s0  }
0x9: {  	s8 =	simm.s32 $0x4100;
	[dreg:$0xd] =	wrdreg s7  }
0xa: {  	s9 =	simm.s32 $0x4900;
	[dreg:$0xe] =	wrdreg s8  }
0xb: {  	s10 =	simm.s32 $0x5100;
	[dreg:$0xf] =	wrdreg s9  }
0xc: {  	s11 =	simm.s32 $0x5900;
	[dreg:$0x10] =	wrdreg s10  }
0xd: {  	s12 =	simm.s32 $0x6100;
	[dreg:$0x11] =	wrdreg s11  }
0xe: {  	s13 =	simm.s32 $0x6900;
	[dreg:$0x12] =	wrdreg s12  }
0xf: {  	s14 =	simm.s32 $0x7100;
	[dreg:$0x13] =	wrdreg s13  }
0x10: {  	s15 =	simm.s32 $0x7900;
	[dreg:$0x14] =	wrdreg s14  }
0x11: {  	s16 =	simm.s32 $0x8100;
	[dreg:$0x15] =	wrdreg s15  }
0x12: {  	s17 =	simm.s32 $0x8900;
	s18 =	simm.s32 $0x9100;
	[dreg:$0x16] =	wrdreg s16  }
0x13: {  	s19 =	simm.s32 $0x9900;
	s21 =	simm.s32 $0xA100;
	[dreg:$0x17] =	wrdreg s17  }
0x14: {  	s28 =	simm.s32 $0x16900;
	s29 =	simm.s32 $0x17100;
	[dreg:$0x18] =	wrdreg s18  }
0x15: {  	s30 =	simm.s32 $0x17900;
	s31 =	simm.s32 $0x1;
	[dreg:$0x19] =	wrdreg s19  }
0x16: {  	s5 =	sshll.u32 s4, $0x3;
	s4 =	ssub.s32 $0x2, s4;
	[dreg:$0x1a] =	wrdreg s21  }
0x17: {  	s7 =	simm.s32 $0xB100;
	s23 =	simm.s32 $0xB900;
	s24 =	simm.s32 $0xC900  }
0x18: {  	s25 =	simm.s32 $0xD100;
	s8 =	simm.s32 $0x100;
	s26 =	simm.s32 $0xD900  }
0x19: {  	s9 =	simm.s32 $0xC100;
	s11 =	simm.s32 $0xE900;
	s12 =	simm.s32 $0xF100  }
0x1a: {  	s13 =	simm.s32 $0xF900;
	s14 =	simm.s32 $0x10100;
	s15 =	simm.s32 $0x10900  }
0x1b: {  	s16 =	simm.s32 $0x11100;
	s17 =	simm.s32 $0x11900;
	[dreg:$0x1c] =	wrdreg s7  }
0x1c: {  	s18 =	simm.s32 $0x12100;
	s19 =	simm.s32 $0x12900;
	[dreg:$0x1d] =	wrdreg s23  }
0x1d: {  	s21 =	simm.s32 $0x13900;
	s3 =	sor.u32 s5, s3;
	[dreg:$0x1e] =	wrdreg s24  }
0x1e: {  	s20 =	sshrl.u32 s4, $0x1;
	s7 =	simm.s32 $0x3;
	[dreg:$0x1f] =	wrdreg s25  }
0x1f: {  	[smem:$0x7FD] =	sst s26;
	s23 =	simm.s32 $0x14900;
	s5 =	sadd.s32 s3, s1  }
0x20: {  	s24 =	simm.s32 $0x15100;
	s25 =	simm.s32 $0x15900;
	s6 =	sadd.s32 $0x71200, s5  }
0x21: {  	s3 =	smul.u32 $0x300, s3;
	s5 =	sadd.s32 $0x71000, s5;
	[dreg:$0x2] =	wrdreg s6  }
0x22: {  	s26 =	simm.s32 $0x16100;
	[dreg:$0x3] =	wrdreg s5;
	s5 =	simm.s32 $0x2900  }
0x23: {  	s3 =	sadd.s32 s3, s1;
	s6 =	simm.s32 $0x3100;
	[dreg:$0xb] =	wrdreg s5  }
0x24: {  	s22 =	sadd.s32 $0x10E00, s3;
	s3 =	sadd.s32 $0x40E00, s3;
	[dreg:$0xc] =	wrdreg s6  }
0x25: {  	s6 =	ssub.s32 s4, s20;
	s4 =	sadd.s32 $0x71500, s1;
	[dreg:$0x4] =	wrdreg s22  }
0x26: {  	v2 =	vlaneseq.u32;
	s5 =	sadd.s32 $0x71600, s1;
	s20 =	simm.s32 $0x13100;
	[dreg:$0x5] =	wrdreg s3  }
0x27: {  	vm0 =	vmmov $0xffff;
	v1 =	vshrl.u32 v2, $0x3;
	s3 =	sadd.s32 $0x71400, s1;
	s22 =	simm.s32 $0xA900;
	s6 =	smax.u32 s6, $0x1  }
0x28: {  	v0 =	vand.u32 $0x7, v2;
	v2 =	vor.u32 $0x8, v2;
	v1 =	vmul.u32 $0x8, v1;
	s1 =	simm.s32 $0x2;
	[dreg:$0x1b] =	wrdreg s22;
	s22 =	simm.s32 $0x14100  }
.LBB2_1:
0x29: {  	s0 =	rddreg [dreg:$0x2]  }
0x2a: {  	[tilespmem:s2], [sflag:$0x3] =	stream.linear.gather [hbm4b:s0+s2], $0x40, $0x38;
	[tilespmem:$0x18100] =	vst v63  }
0x2b: {  	_ =	swait.ge [sflag:s7], $0x40  }
0x2c: {  	s0 =	rddreg [dreg:$0x3];
	[sflag:s7] =	ssyncset.done $0x0  }
0x2d: {  	s10 =	rddreg [dreg:$0x6];
	[sflag:s7] =	ssyncadd.s32 $0xFFFFFFC0  }
0x2e: {  	[tilespmem:s10], [sflag:$0x3] =	stream.linear.gather [hbm4b:s0+s2], $0x40, $0x38;
	[tilespmem:$0x18100] =	vst v63  }
0x2f: {  	_ =	swait.ge [sflag:s7], $0x40  }
0x30: {  	[sflag:s7] =	ssyncset.done $0x0  }
0x31: {  	[sflag:s7] =	ssyncadd.s32 $0xFFFFFFC0  }
0x32: {  	v3 =	vld [tilespmem:$0x0];
	_ =	sdelay $0x4  }
0x33: {  	v4 =	vshrl.u32 v3, $0x3  }
0x34: {  	v4 =	vmul.u32 $0x30, v4  }
0x35: {  	v3 =	vand.u32 $0x7, v3  }
0x36: {  	v3 =	vor.u32 v3, v4  }
0x37: {  	v4 =	vperm.xlane v3, v0;
	_ =	sdelay $0x1  }
0x38: {  	v4 =	vadd.s32 v1, v4;
	_ =	sdelay $0x3  }
0x39: {  	v3 =	vperm.xlane v3, v2  }
0x3a: {  	[tilespmem:s8], [sflag:$0x1] =	stream.indirect_vreg.gather [hbm4b:s3+s2], $0x80, v4, vm0, $0xb8;
	[tilespmem:$0x18100] =	vst v63  }
0x3b: {  	s0 =	rddreg [dreg:$0x7];
	v3 =	vadd.s32 v1, v3  }
0x3c: {  	[tilespmem:s0], [sflag:$0x1] =	stream.indirect_vreg.gather [hbm4b:s4+s2], $0x80, v4, vm0, $0xb8;
	[tilespmem:$0x18100] =	vst v63  }
0x3d: {  	s10 =	rddreg [dreg:$0x8]  }
0x3e: {  	[tilespmem:s10], [sflag:$0x1] =	stream.indirect_vreg.gather [hbm4b:s5+s2], $0x80, v4, vm0, $0xb8;
	[tilespmem:$0x18100] =	vst v63  }
0x3f: {  	s0 =	rddreg [dreg:$0x9]  }
0x40: {  	[tilespmem:s0], [sflag:$0x1] =	stream.indirect_vreg.gather [hbm4b:s3+s2], $0x80, v3, vm0, $0xb8;
	[tilespmem:$0x18100] =	vst v63  }
0x41: {  	s10 =	rddreg [dreg:$0xa]  }
0x42: {  	[tilespmem:s10], [sflag:$0x1] =	stream.indirect_vreg.gather [hbm4b:s4+s2], $0x80, v3, vm0, $0xb8;
	[tilespmem:$0x18100] =	vst v63  }
0x43: {  	s0 =	rddreg [dreg:$0xb]  }
0x44: {  	[tilespmem:s0], [sflag:$0x1] =	stream.indirect_vreg.gather [hbm4b:s5+s2], $0x80, v3, vm0, $0xb8;
	[tilespmem:$0x18100] =	vst v63  }
0x45: {  	v3 =	vld [tilespmem:$0x10];
	_ =	sdelay $0x4  }
0x46: {  	v57 =	vshrl.u32 v3, $0x3  }
0x47: {  	v4 =	vmul.u32 $0x30, v57  }
0x48: {  	v3 =	vand.u32 $0x7, v3  }
0x49: {  	v3 =	vor.u32 v3, v4  }
0x4a: {  	v4 =	vperm.xlane v3, v0;
	_ =	sdelay $0x1  }
0x4b: {  	v4 =	vadd.s32 v1, v4;
	_ =	sdelay $0x3  }
0x4c: {  	s0 =	rddreg [dreg:$0xc];
	v3 =	vperm.xlane v3, v2  }
0x4d: {  	[tilespmem:s0], [sflag:$0x1] =	stream.indirect_vreg.gather [hbm4b:s3+s2], $0x80, v4, vm0, $0xb8;
	[tilespmem:$0x18100] =	vst v63  }
0x4e: {  	s10 =	rddreg [dreg:$0xd];
	v3 =	vadd.s32 v1, v3  }
0x4f: {  	[tilespmem:s10], [sflag:$0x1] =	stream.indirect_vreg.gather [hbm4b:s4+s2], $0x80, v4, vm0, $0xb8;
	[tilespmem:$0x18100] =	vst v63  }
0x50: {  	s0 =	rddreg [dreg:$0xe]  }
0x51: {  	[tilespmem:s0], [sflag:$0x1] =	stream.indirect_vreg.gather [hbm4b:s5+s2], $0x80, v4, vm0, $0xb8;
	[tilespmem:$0x18100] =	vst v63  }
0x52: {  	s10 =	rddreg [dreg:$0xf]  }
0x53: {  	[tilespmem:s10], [sflag:$0x1] =	stream.indirect_vreg.gather [hbm4b:s3+s2], $0x80, v3, vm0, $0xb8;
	[tilespmem:$0x18100] =	vst v63  }
0x54: {  	s0 =	rddreg [dreg:$0x10]  }
0x55: {  	[tilespmem:s0], [sflag:$0x1] =	stream.indirect_vreg.gather [hbm4b:s4+s2], $0x80, v3, vm0, $0xb8;
	[tilespmem:$0x18100] =	vst v63  }
0x56: {  	s10 =	rddreg [dreg:$0x11]  }
0x57: {  	[tilespmem:s10], [sflag:$0x1] =	stream.indirect_vreg.gather [hbm4b:s5+s2], $0x80, v3, vm0, $0xb8;
	[tilespmem:$0x18100] =	vst v63  }
0x58: {  	v3 =	vld [tilespmem:$0x20];
	_ =	sdelay $0x4  }
0x59: {  	v58 =	vshrl.u32 v3, $0x3  }
0x5a: {  	v4 =	vmul.u32 $0x30, v58  }
0x5b: {  	v3 =	vand.u32 $0x7, v3  }
0x5c: {  	v3 =	vor.u32 v3, v4  }
0x5d: {  	v4 =	vperm.xlane v3, v0;
	_ =	sdelay $0x1  }
0x5e: {  	v4 =	vadd.s32 v1, v4;
	_ =	sdelay $0x3  }
0x5f: {  	s0 =	rddreg [dreg:$0x12];
	v3 =	vperm.xlane v3, v2  }
0x60: {  	[tilespmem:s0], [sflag:$0x1] =	stream.indirect_vreg.gather [hbm4b:s3+s2], $0x80, v4, vm0, $0xb8;
	[tilespmem:$0x18100] =	vst v63  }
0x61: {  	s10 =	rddreg [dreg:$0x13];
	v3 =	vadd.s32 v1, v3  }
0x62: {  	[tilespmem:s10], [sflag:$0x1] =	stream.indirect_vreg.gather [hbm4b:s4+s2], $0x80, v4, vm0, $0xb8;
	[tilespmem:$0x18100] =	vst v63  }
0x63: {  	s0 =	rddreg [dreg:$0x14]  }
0x64: {  	[tilespmem:s0], [sflag:$0x1] =	stream.indirect_vreg.gather [hbm4b:s5+s2], $0x80, v4, vm0, $0xb8;
	[tilespmem:$0x18100] =	vst v63  }
0x65: {  	s10 =	rddreg [dreg:$0x15]  }
0x66: {  	[tilespmem:s10], [sflag:$0x1] =	stream.indirect_vreg.gather [hbm4b:s3+s2], $0x80, v3, vm0, $0xb8;
	[tilespmem:$0x18100] =	vst v63  }
0x67: {  	s0 =	rddreg [dreg:$0x16]  }
0x68: {  	[tilespmem:s0], [sflag:$0x1] =	stream.indirect_vreg.gather [hbm4b:s4+s2], $0x80, v3, vm0, $0xb8;
	[tilespmem:$0x18100] =	vst v63  }
0x69: {  	s10 =	rddreg [dreg:$0x17]  }
0x6a: {  	[tilespmem:s10], [sflag:$0x1] =	stream.indirect_vreg.gather [hbm4b:s5+s2], $0x80, v3, vm0, $0xb8;
	[tilespmem:$0x18100] =	vst v63  }
0x6b: {  	v3 =	vld [tilespmem:$0x30];
	_ =	sdelay $0x4  }
0x6c: {  	v59 =	vshrl.u32 v3, $0x3  }
0x6d: {  	v4 =	vmul.u32 $0x30, v59  }
0x6e: {  	v3 =	vand.u32 $0x7, v3  }
0x6f: {  	v3 =	vor.u32 v3, v4  }
0x70: {  	v4 =	vperm.xlane v3, v0;
	_ =	sdelay $0x1  }
0x71: {  	v4 =	vadd.s32 v1, v4;
	_ =	sdelay $0x3  }
0x72: {  	s0 =	rddreg [dreg:$0x18];
	v3 =	vperm.xlane v3, v2  }
0x73: {  	[tilespmem:s0], [sflag:$0x1] =	stream.indirect_vreg.gather [hbm4b:s3+s2], $0x80, v4, vm0, $0xb8;
	[tilespmem:$0x18100] =	vst v63  }
0x74: {  	s10 =	rddreg [dreg:$0x19];
	v3 =	vadd.s32 v1, v3  }
0x75: {  	[tilespmem:s10], [sflag:$0x1] =	stream.indirect_vreg.gather [hbm4b:s4+s2], $0x80, v4, vm0, $0xb8;
	[tilespmem:$0x18100] =	vst v63  }
0x76: {  	s0 =	rddreg [dreg:$0x1a]  }
0x77: {  	[tilespmem:s0], [sflag:$0x1] =	stream.indirect_vreg.gather [hbm4b:s5+s2], $0x80, v4, vm0, $0xb8;
	[tilespmem:$0x18100] =	vst v63  }
0x78: {  	s10 =	rddreg [dreg:$0x1b]  }
0x79: {  	[tilespmem:s10], [sflag:$0x1] =	stream.indirect_vreg.gather [hbm4b:s3+s2], $0x80, v3, vm0, $0xb8;
	[tilespmem:$0x18100] =	vst v63  }
0x7a: {  	s0 =	rddreg [dreg:$0x1c]  }
0x7b: {  	[tilespmem:s0], [sflag:$0x1] =	stream.indirect_vreg.gather [hbm4b:s4+s2], $0x80, v3, vm0, $0xb8;
	[tilespmem:$0x18100] =	vst v63  }
0x7c: {  	s10 =	rddreg [dreg:$0x1d]  }
0x7d: {  	[tilespmem:s10], [sflag:$0x1] =	stream.indirect_vreg.gather [hbm4b:s5+s2], $0x80, v3, vm0, $0xb8;
	[tilespmem:$0x18100] =	vst v63  }
0x7e: {  	v3 =	vld [tilespmem:$0x80];
	_ =	sdelay $0x4  }
0x7f: {  	v60 =	vshrl.u32 v3, $0x3  }
0x80: {  	v4 =	vmul.u32 $0x30, v60  }
0x81: {  	v3 =	vand.u32 $0x7, v3  }
0x82: {  	v3 =	vor.u32 v3, v4  }
0x83: {  	v4 =	vperm.xlane v3, v0;
	_ =	sdelay $0x1  }
0x84: {  	v4 =	vadd.s32 v1, v4;
	_ =	sdelay $0x3  }
0x85: {  	s0 =	rddreg [dreg:$0x1e];
	v3 =	vperm.xlane v3, v2  }
0x86: {  	[tilespmem:s9], [sflag:$0x2] =	stream.indirect_vreg.gather [hbm4b:s3+s2], $0x80, v4, vm0, $0xb8;
	[tilespmem:$0x18100] =	vst v63  }
0x87: {  	s10 =	rddreg [dreg:$0x1f];
	v3 =	vadd.s32 v1, v3  }
0x88: {  	[tilespmem:s0], [sflag:$0x2] =	stream.indirect_vreg.gather [hbm4b:s4+s2], $0x80, v4, vm0, $0xb8;
	[tilespmem:$0x18100] =	vst v63  }
0x89: {  	s0 =	sld [smem:$0x7FD]  }
0x8a: {  	[tilespmem:s10], [sflag:$0x2] =	stream.indirect_vreg.gather [hbm4b:s5+s2], $0x80, v4, vm0, $0xb8;
	[tilespmem:$0x18100] =	vst v63  }
0x8b: {  	_ = 	snop  }
0x8c: {  	[tilespmem:s0], [sflag:$0x2] =	stream.indirect_vreg.gather [hbm4b:s3+s2], $0x80, v3, vm0, $0xb8;
	[tilespmem:$0x18100] =	vst v63  }
0x8d: {  	s10 =	simm.s32 $0xE100  }
0x8e: {  	[tilespmem:s10], [sflag:$0x2] =	stream.indirect_vreg.gather [hbm4b:s4+s2], $0x80, v3, vm0, $0xb8;
	[tilespmem:$0x18100] =	vst v63  }
0x8f: {  	_ = 	snop  }
0x90: {  	[tilespmem:s11], [sflag:$0x2] =	stream.indirect_vreg.gather [hbm4b:s5+s2], $0x80, v3, vm0, $0xb8;
	[tilespmem:$0x18100] =	vst v63  }
0x91: {  	v3 =	vld [tilespmem:$0x90];
	_ =	sdelay $0x4  }
0x92: {  	v61 =	vshrl.u32 v3, $0x3  }
0x93: {  	v4 =	vmul.u32 $0x30, v61  }
0x94: {  	v3 =	vand.u32 $0x7, v3  }
0x95: {  	v3 =	vor.u32 v3, v4  }
0x96: {  	v4 =	vperm.xlane v3, v0;
	_ =	sdelay $0x1  }
0x97: {  	v4 =	vadd.s32 v1, v4;
	_ =	sdelay $0x3  }
0x98: {  	v3 =	vperm.xlane v3, v2  }
0x99: {  	[tilespmem:s12], [sflag:$0x2] =	stream.indirect_vreg.gather [hbm4b:s3+s2], $0x80, v4, vm0, $0xb8;
	[tilespmem:$0x18100] =	vst v63  }
0x9a: {  	v3 =	vadd.s32 v1, v3  }
0x9b: {  	[tilespmem:s13], [sflag:$0x2] =	stream.indirect_vreg.gather [hbm4b:s4+s2], $0x80, v4, vm0, $0xb8;
	[tilespmem:$0x18100] =	vst v63  }
0x9c: {  	_ = 	snop  }
0x9d: {  	[tilespmem:s14], [sflag:$0x2] =	stream.indirect_vreg.gather [hbm4b:s5+s2], $0x80, v4, vm0, $0xb8;
	[tilespmem:$0x18100] =	vst v63  }
0x9e: {  	_ = 	snop  }
0x9f: {  	[tilespmem:s15], [sflag:$0x2] =	stream.indirect_vreg.gather [hbm4b:s3+s2], $0x80, v3, vm0, $0xb8;
	[tilespmem:$0x18100] =	vst v63  }
0xa0: {  	_ = 	snop  }
0xa1: {  	[tilespmem:s16], [sflag:$0x2] =	stream.indirect_vreg.gather [hbm4b:s4+s2], $0x80, v3, vm0, $0xb8;
	[tilespmem:$0x18100] =	vst v63  }
0xa2: {  	_ = 	snop  }
0xa3: {  	[tilespmem:s17], [sflag:$0x2] =	stream.indirect_vreg.gather [hbm4b:s5+s2], $0x80, v3, vm0, $0xb8;
	[tilespmem:$0x18100] =	vst v63  }
0xa4: {  	v3 =	vld [tilespmem:$0xA0];
	_ =	sdelay $0x4  }
0xa5: {  	v62 =	vshrl.u32 v3, $0x3  }
0xa6: {  	v4 =	vmul.u32 $0x30, v62  }
0xa7: {  	v3 =	vand.u32 $0x7, v3  }
0xa8: {  	v3 =	vor.u32 v3, v4  }
0xa9: {  	v4 =	vperm.xlane v3, v0;
	_ =	sdelay $0x1  }
0xaa: {  	v4 =	vadd.s32 v1, v4;
	_ =	sdelay $0x3  }
0xab: {  	v3 =	vperm.xlane v3, v2  }
0xac: {  	[tilespmem:s18], [sflag:$0x2] =	stream.indirect_vreg.gather [hbm4b:s3+s2], $0x80, v4, vm0, $0xb8;
	[tilespmem:$0x18100] =	vst v63  }
0xad: {  	v3 =	vadd.s32 v1, v3  }
0xae: {  	[tilespmem:s19], [sflag:$0x2] =	stream.indirect_vreg.gather [hbm4b:s4+s2], $0x80, v4, vm0, $0xb8;
	[tilespmem:$0x18100] =	vst v63  }
0xaf: {  	_ = 	snop  }
0xb0: {  	[tilespmem:s20], [sflag:$0x2] =	stream.indirect_vreg.gather [hbm4b:s5+s2], $0x80, v4, vm0, $0xb8;
	[tilespmem:$0x18100] =	vst v63  }
0xb1: {  	_ = 	snop  }
0xb2: {  	[tilespmem:s21], [sflag:$0x2] =	stream.indirect_vreg.gather [hbm4b:s3+s2], $0x80, v3, vm0, $0xb8;
	[tilespmem:$0x18100] =	vst v63  }
0xb3: {  	_ = 	snop  }
0xb4: {  	[tilespmem:s22], [sflag:$0x2] =	stream.indirect_vreg.gather [hbm4b:s4+s2], $0x80, v3, vm0, $0xb8;
	[tilespmem:$0x18100] =	vst v63  }
0xb5: {  	_ = 	snop  }
0xb6: {  	[tilespmem:s23], [sflag:$0x2] =	stream.indirect_vreg.gather [hbm4b:s5+s2], $0x80, v3, vm0, $0xb8;
	[tilespmem:$0x18100] =	vst v63  }
0xb7: {  	v3 =	vld [tilespmem:$0xB0];
	_ =	sdelay $0x4  }
0xb8: {  	v63 =	vshrl.u32 v3, $0x3  }
0xb9: {  	v4 =	vmul.u32 $0x30, v63  }
0xba: {  	v3 =	vand.u32 $0x7, v3  }
0xbb: {  	v3 =	vor.u32 v3, v4  }
0xbc: {  	v4 =	vperm.xlane v3, v0;
	_ =	sdelay $0x1  }
0xbd: {  	v4 =	vadd.s32 v1, v4;
	_ =	sdelay $0x3  }
0xbe: {  	v3 =	vperm.xlane v3, v2  }
0xbf: {  	[tilespmem:s24], [sflag:$0x2] =	stream.indirect_vreg.gather [hbm4b:s3+s2], $0x80, v4, vm0, $0xb8;
	[tilespmem:$0x18100] =	vst v63  }
0xc0: {  	v3 =	vadd.s32 v1, v3  }
0xc1: {  	[tilespmem:s25], [sflag:$0x2] =	stream.indirect_vreg.gather [hbm4b:s4+s2], $0x80, v4, vm0, $0xb8;
	[tilespmem:$0x18100] =	vst v63  }
0xc2: {  	_ = 	snop  }
0xc3: {  	[tilespmem:s26], [sflag:$0x2] =	stream.indirect_vreg.gather [hbm4b:s5+s2], $0x80, v4, vm0, $0xb8;
	[tilespmem:$0x18100] =	vst v63  }
0xc4: {  	_ = 	snop  }
0xc5: {  	[tilespmem:s28], [sflag:$0x2] =	stream.indirect_vreg.gather [hbm4b:s3+s2], $0x80, v3, vm0, $0xb8;
	[tilespmem:$0x18100] =	vst v63  }
0xc6: {  	_ = 	snop  }
0xc7: {  	[tilespmem:s29], [sflag:$0x2] =	stream.indirect_vreg.gather [hbm4b:s4+s2], $0x80, v3, vm0, $0xb8;
	[tilespmem:$0x18100] =	vst v63  }
0xc8: {  	_ = 	snop  }
0xc9: {  	[tilespmem:s30], [sflag:$0x2] =	stream.indirect_vreg.gather [hbm4b:s5+s2], $0x80, v3, vm0, $0xb8;
	[tilespmem:$0x18100] =	vst v63  }
0xca: {  	_ =	swait.ge [sflag:s31], $0xC000  }
0xcb: {  	[sflag:s31] =	ssyncset.done $0x0  }
0xcc: {  	[sflag:s31] =	ssyncadd.s32 $0xFFFF4000  }
0xcd: {  	_ =	swait.ge [sflag:s1], $0xC000  }
0xce: {  	[sflag:s1] =	ssyncset.done $0x0  }
0xcf: {  	s10 =	rddreg [dreg:$0x4];
	[sflag:s1] =	ssyncadd.s32 $0xFFFF4000  }
0xd0: {  	[hbm4b:s10+s2] =	stream.linear.scatter [tilespmem:s8], [sflag:$0x3], $0xC000, $0x38;
	[tilespmem:$0x18100] =	vst v63  }
0xd1: {  	_ =	swait.ge [sflag:s7], $0xC000  }
0xd2: {  	p0 =	sne.s32 s6, $0x1;
	[sflag:s7] =	ssyncset.done $0x0  }
.Ltmp0:
0xd3: {  	s10 =	rddreg [dreg:$0x5];
	[sflag:s7] =	ssyncadd.s32 $0xFFFF4000;
	(pc) =	sbr.rel @p0 .LBB2_1-.Ltmp0, $4  }
0xd4: {  	[hbm4b:s10+s2] =	stream.linear.scatter [tilespmem:s9], [sflag:$0x3], $0xC000, $0x38;
	[tilespmem:$0x18100] =	vst v63  }
0xd5: {  	_ =	swait.ge [sflag:s7], $0xC000  }
0xd6: {  	[sflag:s7] =	ssyncset.done $0x0  }
0xd7: {  	s6 =	sadd.s32 $0xFFFFFFFF, s6;
	[sflag:s7] =	ssyncadd.s32 $0xFFFF4000  }
0xd8: {  	_ =	sfence.sel $0x180000  }
0xd9: {  	[bflag:$0x0] =	sbarrier.arrive $0xFFFF  }
0xda: {  	_ =	strace $0x9000004A  }
0xdb: {  	s0 =	stileid.u32;
	[bflag:$0x2] =	sbarrier.arrive $0xFFFF  }
0xdc: {  	p0 =	sne.s32 s0, $0x0;
	s0 =	rddreg [dreg:$0x1]  }
0xdd: {  	s0 =	sadd.s32 @!p0 $0x100000, s0  }
0xde: {  	[sflag:s0] =	ssyncadd.tile.s32 @!p0 $0x1;
	_ =	shalt  }
.Lfunc_end2:
_tile_overlayer_lowered:
.L_overlay_start_2:
0xdf: {  	(tag) =	ssettag $0x2  }
0xe0: {  	s0 =	rddreg [dreg:$0x0];
	s2 =	stileid.u32  }
0xe1: {  	s1 =	rddreg [dreg:$0x1];
	p0 =	sne.s32 s2, $0x0  }
0xe2: {  	s3 =	rddreg [dreg:$0x2];
	[bflag:$0x3] =	sbarrier.arrive $0xFFFF;
	s2 =	simm.s32 @!p0 $0x1C03  }
0xe3: {  	[timem:s3], [sflag:s2] =	dma.local @!p0 [hbm:s0], s1  }
0xe4: {  	s0 =	simm.s32 @!p0 $0x3  }
0xe5: {  	_ =	swait.ge @!p0 [sflag:s0], s1  }
0xe6: {  	s1 =	ssub.s32 @!p0 $0x0, s1;
	[sflag:s0] =	ssyncset.done @!p0 $0x0  }
0xe7: {  	[sflag:s0] =	ssyncadd.s32 @!p0 s1  }
0xe8: {  	[bflag:$0x3] =	sbarrier.arrive $0xFFFF  }
0xe9: {  	_ =	shalt  }

// kernel: kernel.7.cloned.1.call-start
scs
__scs_entry_jumppad:
0x0: {  	(pc) =	sbr.rel $0x88, $3  }
0x1: {  	(tag) =	ssettag $0x0;
	lr =	simm.s32 $0x1  }
0x2: {  	[smem:$0x3F98] =	sst lr;
	_ =	strace $0xD0000000  }
0x3: {  	_ = 	snop  }
0x4: {  	_ = 	snop  }
0x5: {  	_ = 	snop  }
0x6: {  	_ = 	snop  }
0x7: {  	_ = 	snop  }
__scs_overlays_trampoline_lowered:
0x8: {  	[smem:$0x3FA7] =	sst s0  }
0x9: {  	[smem:$0x3FA8] =	sst s1  }
0xa: {  	[smem:$0x3FA9] =	sst s2  }
0xb: {  	[smem:$0x3FAA] =	sst s3  }
0xc: {  	[smem:$0x3FAB] =	sst s4  }
0xd: {  	[smem:$0x3FAC] =	sst s5  }
0xe: {  	[smem:$0x3FAD] =	sst s6  }
0xf: {  	[smem:$0x3FAE] =	sst s7  }
0x10: {  	[smem:$0x3FAF] =	sst s8  }
0x11: {  	[smem:$0x3FB0] =	sst s9;
	s0 =	simm.s32 @!p0 $0x0  }
0x12: {  	s1 =	sld [smem:$0x3F96];
	s0 =	simm.s32 @p0 $0x1  }
0x13: {  	[smem:$0x3FB1] =	sst s0;
	s0 =	simm.s32 @!p1 $0x0  }
0x14: {  	s2 =	sld [smem:$0x3F95];
	s0 =	simm.s32 @p1 $0x1  }
0x15: {  	[smem:$0x3FB2] =	sst s0;
	s0 =	simm.s32 @!p2 $0x0  }
0x16: {  	s3 =	sld [smem:$0x3FDB];
	s0 =	simm.s32 @p2 $0x1  }
0x17: {  	s4 =	simm.s32 $0x1BF5;
	[smem:$0x3FB4] =	sst s0  }
0x18: {  	s0 =	sld [smem:$0x3F97];
	_ =	swait.ge [sflag:s4], $0x0  }
0x19: {  	s7 =	sld [smem:$0x3F98]  }
0x1a: {  	s8 =	sadd.s32 $0xFFFFE003, lr  }
0x1b: {  	s9 =	sadd.s32 $0xFFFFFEF7, lr;
	s5 =	simm.s32 $0xFFFFFFFF;
	p2 =	slt.u32 s8, $0xFFFFF086  }
0x1c: {  	p1 =	slt.u32 s9, $0xF7A;
	s5 =	simm.s32 @!p2 $0x0  }
0x1d: {  	s5 =	simm.s32 @p1 $0x1;
	p0 =	seq.s32 s7, s2  }
0x1e: {  	s7 =	smul.u32 @!p0 $0xF7A, s2;
	p2 =	seq.s32 @!p0 s5, $0x0  }
0x1f: {  	s9 =	smul.u32 $0xF7A, s1;
	s8 =	simm.s32 @!p0 $0x1BF5;
	p2 =	por !p2, p0  }
0x20: {  	[sflag:s8] =	ssyncset.s32 @!p0 $0xFFFFF086;
	s6 =	sadd.s32 @!p0 s3, s7;
	s7 =	simm.s32 @!p0 $0x108  }
0x21: {  	s3 =	sadd.s32 s3, s9;
	s6 =	sadd.s32 @!p0 $0x88, s6;
	s7 =	simm.s32 @p2 $0x1082  }
0x22: {  	[simem:s7], [sflag:s8] =	dma.local @!p0 [hbm:s6], $0xF7A  }
0x23: {  	s9 =	sor.u32 $0xD0000000, s2;
	s6 =	simm.s32 $0x108;
	_ =	swait.ge @!p0 [sflag:s8], $0x0  }
0x24: {  	s3 =	sadd.s32 $0x88, s3;
	s6 =	simm.s32 @!p1 $0x1082;
	[sflag:s4] =	ssyncset.s32 $0xFFFFF086  }
0x25: {  	[simem:s6], [sflag:s4] =	dma.local [hbm:s3], $0xF7A  }
0x26: {  	[smem:$0x3F98] =	sst s1;
	(tag) =	ssettag s2;
	_ =	strace s9  }
0x27: {  	s1 =	sld [smem:$0x3FA8]  }
0x28: {  	s2 =	sld [smem:$0x3FA9]  }
0x29: {  	s4 =	sld [smem:$0x3FAB]  }
0x2a: {  	p0 =	seq.s32 s5, $0x0;
	s5 =	sld [smem:$0x3FAC]  }
0x2b: {  	s6 =	sld [smem:$0x3FAD]  }
0x2c: {  	s7 =	sld [smem:$0x3FAE]  }
0x2d: {  	s3 =	simm.s32 $0x108;
	s8 =	sld [smem:$0x3FAF]  }
0x2e: {  	s3 =	simm.s32 @!p0 $0x1082;
	s9 =	sld [smem:$0x3FB0]  }
0x2f: {  	lr =	sadd.s32 s0, s3;
	s0 =	sld [smem:$0x3FA7]  }
0x30: {  	s3 =	sld [smem:$0x3FAA]  }
0x31: {  	[smem:$0x3FB3] =	sst s10  }
0x32: {  	s10 =	sld [smem:$0x3FB1];
	_ =	sdelay $0x3  }
0x33: {  	p0 =	seq.s32 s10, $0x1;
	s10 =	sld [smem:$0x3FB3];
	_ =	sdelay $0x3  }
0x34: {  	[smem:$0x3FB3] =	sst s10  }
0x35: {  	s10 =	sld [smem:$0x3FB2];
	_ =	sdelay $0x3  }
0x36: {  	p1 =	seq.s32 s10, $0x1;
	s10 =	sld [smem:$0x3FB3];
	_ =	sdelay $0x3  }
0x37: {  	[smem:$0x3FB3] =	sst s10  }
0x38: {  	s10 =	sld [smem:$0x3FB4]  }
0x39: {  	_ = 	snop;
	(pc) =	sbr.ind lr, $3  }
0x3a: {  	_ = 	snop  }
0x3b: {  	_ = 	snop  }
0x3c: {  	p2 =	seq.s32 s10, $0x1;
	s10 =	sld [smem:$0x3FB3]  }
0x3d: {  	_ =	shalt  }
0x3e: {  	_ =	shalt  }
0x3f: {  	_ =	shalt  }
0x40: {  	_ =	shalt  }
0x41: {  	_ =	shalt  }
0x42: {  	_ =	shalt  }
0x43: {  	_ =	shalt  }
0x44: {  	_ =	shalt  }
0x45: {  	_ =	shalt  }
0x46: {  	_ =	shalt  }
0x47: {  	_ =	shalt  }
0x48: {  	_ =	shalt  }
0x49: {  	_ =	shalt  }
0x4a: {  	_ =	shalt  }
0x4b: {  	_ =	shalt  }
0x4c: {  	_ =	shalt  }
0x4d: {  	_ =	shalt  }
0x4e: {  	_ =	shalt  }
0x4f: {  	_ =	shalt  }
0x50: {  	_ =	shalt  }
0x51: {  	_ =	shalt  }
0x52: {  	_ =	shalt  }
0x53: {  	_ =	shalt  }
0x54: {  	_ =	shalt  }
0x55: {  	_ =	shalt  }
0x56: {  	_ =	shalt  }
0x57: {  	_ =	shalt  }
0x58: {  	_ =	shalt  }
0x59: {  	_ =	shalt  }
0x5a: {  	_ =	shalt  }
0x5b: {  	_ =	shalt  }
0x5c: {  	_ =	shalt  }
0x5d: {  	_ =	shalt  }
0x5e: {  	_ =	shalt  }
0x5f: {  	_ =	shalt  }
0x60: {  	_ =	shalt  }
0x61: {  	_ =	shalt  }
0x62: {  	_ =	shalt  }
0x63: {  	_ =	shalt  }
0x64: {  	_ =	shalt  }
0x65: {  	_ =	shalt  }
0x66: {  	_ =	shalt  }
0x67: {  	_ =	shalt  }
0x68: {  	_ =	shalt  }
0x69: {  	_ =	shalt  }
0x6a: {  	_ =	shalt  }
0x6b: {  	_ =	shalt  }
0x6c: {  	_ =	shalt  }
0x6d: {  	_ =	shalt  }
0x6e: {  	_ =	shalt  }
0x6f: {  	_ =	shalt  }
0x70: {  	_ =	shalt  }
0x71: {  	_ =	shalt  }
0x72: {  	_ =	shalt  }
0x73: {  	_ =	shalt  }
0x74: {  	_ =	shalt  }
0x75: {  	_ =	shalt  }
0x76: {  	_ =	shalt  }
0x77: {  	_ =	shalt  }
0x78: {  	_ =	shalt  }
0x79: {  	_ =	shalt  }
0x7a: {  	_ =	shalt  }
0x7b: {  	_ =	shalt  }
0x7c: {  	_ =	shalt  }
0x7d: {  	_ =	shalt  }
0x7e: {  	_ =	shalt  }
0x7f: {  	_ =	shalt  }
0x80: {  	_ =	shalt  }
0x81: {  	_ =	shalt  }
0x82: {  	_ =	shalt  }
0x83: {  	_ =	shalt  }
0x84: {  	_ =	shalt  }
0x85: {  	_ =	shalt  }
0x86: {  	_ =	shalt  }
0x87: {  	_ =	shalt  }
.Lfunc_end0:
.L_simem_size_0:
called_computation_lowered:
.L_overlay_start_0:
0x88: {  	s2 =	sld [smem:$0x3FD9]  }
0x89: {  	s3 =	sld [smem:$0x3FFE];
	_ =	sdelay $0x1  }
0x8a: {  	s1 =	srdreg.scid  }
0x8b: {  	s0 =	sand.u32 $0x1, s1  }
0x8c: {  	s17 =	sshll.u32 s0, $0xA;
	s2 =	sadd.s32 s3, s2  }
0x8d: {  	s2 =	sadd.s32 s2, s17  }
0x8e: {  	[smem:$0x3FBF] =	sst s2  }
0x8f: {  	_ = 	snop  }
0x90: {  	s2 =	sld [smem:$0x3FC9]  }
0x91: {  	s18 =	sld [smem:$0x3FD0];
	(tm) =	ssettm $0x1  }
0x92: {  	s4 =	sld [smem:$0x3FFB];
	_ =	sdelay $0x3  }
0x93: {  	_ =	strace s4  }
0x94: {  	s4 =	sld [smem:$0x3FFC];
	_ =	sdelay $0x3  }
0x95: {  	_ =	strace s4  }
0x96: {  	s4 =	sld [smem:$0x3FFD];
	_ =	sdelay $0x3  }
0x97: {  	_ =	strace s4  }
0x98: {  	_ =	strace $0x8FFFFFFF  }
0x99: {  	s19 =	sld [smem:$0x3FDB];
	_ =	sdelay $0x1  }
0x9a: {  	s5 =	simm.s32 $_scs_section_size  }
0x9b: {  	s6 =	simm.s32 $_size__tile_overlayer_lowered;
	s7 =	simm.s32 $_tile_overlayer_lowered  }
0x9c: {  	s22 =	simm.s32 $0x1BFF;
	s21 =	sshll.u32 s7, $0x1;
	s4 =	sadd.s32 s5, s19  }
0x9d: {  	s8 =	simm.s32 $0x0;
	s20 =	sshll.u32 s6, $0x1;
	s6 =	sadd.s32 s21, s4  }
0x9e: {  	[timem:s8], [sflag:s22] =	dma.local [hbm:s6], s20  }
0x9f: {  	_ =	swait.ge [sflag:s22], s20  }
0xa0: {  	s5 =	ssub.s32 $0x0, s20;
	[sflag:s22] =	ssyncset.done $0x0  }
0xa1: {  	[sflag:s22] =	ssyncadd.s32 s5;
	_ =	sdelay $0x1  }
0xa2: {  	s23 =	simm.s32 $0x1B8B  }
0xa3: {  	_ =	swait.ge [sflag:s23], $0x1  }
0xa4: {  	[sflag:s23] =	ssyncset.done $0x0  }
0xa5: {  	s25 =	simm.s32 $0x1B8E;
	s24 =	sld [smem:$0x3FFE];
	[sflag:s23] =	ssyncadd.s32 $0xFFFFFFFF  }
0xa6: {  	s26 =	simm.s32 $execute0_lowered;
	[smem:$0x3FD2] =	sst s25  }
0xa7: {  	s6 =	sshll.u32 s26, $0x1;
	_ =	strace $0x80000046;
	[dreg:$0x1] =	wrdreg $0xFFFFFFFF  }
0xa8: {  	s28 =	simm.s32 $_size_execute0_lowered;
	s4 =	sadd.s32 s4, s6;
	[dreg:$0x0] =	wrdreg $0x0  }
0xa9: {  	s6 =	sshll.u32 s28, $0x1;
	[dreg:$0x2] =	wrdreg s4  }
0xaa: {  	[dreg:$0x3] =	wrdreg s6  }
0xab: {  	[dreg:$0x4] =	wrdreg $0xC0  }
0xac: {  	_ =	task [dreg:s8], $0x5FFFF  }
0xad: {  	[dreg:$0x1] =	wrdreg $0xFFFFFFFF  }
0xae: {  	[dreg:$0x0] =	wrdreg $0x60  }
0xaf: {  	[dreg:$0x2] =	wrdreg s2  }
0xb0: {  	[dreg:$0x3] =	wrdreg s18  }
0xb1: {  	[dreg:$0x4] =	wrdreg s24  }
0xb2: {  	[dreg:$0x5] =	wrdreg $0x9  }
0xb3: {  	_ =	task.clear_ibuf [dreg:s8], $0x6FFFF;
	_ =	strace $0x90000046  }
0xb4: {  	s29 =	simm.s32 $0x9;
	_ =	strace $0x80000048  }
0xb5: {  	_ =	swait.ge [sflag:s29], $0x1  }
0xb6: {  	[sflag:s29] =	ssyncadd.s32 $0xFFFFFFFF  }
0xb7: {  	_ =	strace $0x90000048  }
0xb8: {  	_ =	sfence  }
0xb9: {  	s30 =	sld [smem:$0x0];
	_ =	sdelay $0x2  }
0xba: {  	s31 =	sshll.u32 s1, $0xD;
	s1 =	sshrl.u32 s1, $0x2  }
0xbb: {  	s3 =	sand.u32 $0x4000, s31;
	s1 =	sadd.s32 s1, s30  }
0xbc: {  	s0 =	sor.u32 s3, s0;
	s1 =	sshll.u32 s1, $0x11  }
0xbd: {  	s0 =	sor.u32 s1, s0  }
0xbe: {  	s0 =	sadd.s32 $0x8F2B, s0  }
0xbf: {  	[sflag:s0] =	ssyncadd.remote.s32 $0x1  }
0xc0: {  	_ =	sfence.sel $0xFFFF  }
0xc1: {  	[dreg:$0x0] =	wrdreg $0xFFFFFFFF;
	(pc) =	sbr.abs _section_cstart, $3  }
0xc2: {  	[dreg:$0x1] =	wrdreg $0xFFFFFFFF  }
0xc3: {  	_ =	task.clear_ibuf [dreg:s8], $0x2FFFF;
	_ =	strace $0x9FFFFFFF  }
0xc4: {  	(tm) =	ssettm $0x7FFFFFFF  }
0xc5: {  	_ =	shalt  }
tec
execute0_lowered:
.L_overlay_start_1:
0x0: {  	(tag) =	ssettag $0x1  }
0x1: {  	s1 =	srdreg.scid  }
0x2: {  	s3 =	rddreg [dreg:$0x0];
	s0 =	stileid.u32;
	s1 =	sand.u32 $0x1, s1  }
0x3: {  	s4 =	rddreg [dreg:$0x1];
	s2 =	sshll.u32 s0, $0x5;
	s5 =	sshll.u32 s1, $0x4  }
0x4: {  	s6 =	rddreg [dreg:$0x2];
	s5 =	sor.u32 s5, s2;
	s2 =	simm.s32 $0x0  }
0x5: {  	[smem:$0x7FF] =	sst s2;
	s4 =	sadd.s32 s4, s5  }
0x6: {  	s24 =	simm.s32 $0x880;
	_ =	strace $0x80000047;
	[dreg:$0x4] =	wrdreg s4  }
0x7: {  	s25 =	simm.s32 $0x1080;
	[dreg:$0x6] =	wrdreg s24  }
0x8: {  	s26 =	simm.s32 $0x1880;
	[dreg:$0x7] =	wrdreg s25  }
0x9: {  	s0 =	simm.s32 $0x2080;
	[dreg:$0x8] =	wrdreg s26  }
0xa: {  	s7 =	sand.u32 $0xF0, s5;
	s5 =	simm.s32 $0x3080;
	[dreg:$0x9] =	wrdreg s0  }
0xb: {  	s8 =	simm.s32 $0x4080;
	[dreg:$0xb] =	wrdreg s5  }
0xc: {  	s9 =	simm.s32 $0x4880;
	[dreg:$0xd] =	wrdreg s8  }
0xd: {  	s10 =	simm.s32 $0x5080;
	[dreg:$0xe] =	wrdreg s9  }
0xe: {  	s11 =	simm.s32 $0x5880;
	[dreg:$0xf] =	wrdreg s10  }
0xf: {  	s12 =	simm.s32 $0x6080;
	[dreg:$0x10] =	wrdreg s11  }
0x10: {  	s13 =	simm.s32 $0x6880;
	[dreg:$0x11] =	wrdreg s12  }
0x11: {  	s14 =	simm.s32 $0x7080;
	s15 =	simm.s32 $0x7880;
	[dreg:$0x12] =	wrdreg s13  }
0x12: {  	s16 =	simm.s32 $0x8080;
	s17 =	simm.s32 $0x8880;
	[dreg:$0x13] =	wrdreg s14  }
0x13: {  	s18 =	simm.s32 $0x9080;
	s20 =	simm.s32 $0x9880;
	[dreg:$0x14] =	wrdreg s15  }
0x14: {  	s21 =	simm.s32 $0xA080;
	s22 =	simm.s32 $0xA880;
	[dreg:$0x15] =	wrdreg s16  }
0x15: {  	s23 =	simm.s32 $0xB080;
	s28 =	simm.s32 $0x16080;
	[dreg:$0x16] =	wrdreg s17  }
0x16: {  	s29 =	simm.s32 $0x16880;
	s1 =	ssub.s32 $0x2, s1;
	[dreg:$0x17] =	wrdreg s18  }
0x17: {  	s30 =	simm.s32 $0x17080;
	s19 =	sshrl.u32 s1, $0x1;
	[dreg:$0x18] =	wrdreg s20  }
0x18: {  	s31 =	simm.s32 $0x17880;
	s1 =	ssub.s32 s1, s19;
	[dreg:$0x19] =	wrdreg s21  }
0x19: {  	s19 =	simm.s32 $0x12080;
	s7 =	smul.u32 $0x300, s7;
	[dreg:$0x1a] =	wrdreg s22  }
0x1a: {  	s4 =	simm.s32 $0x2880;
	s5 =	sadd.s32 $0x11200, s6;
	[dreg:$0x1b] =	wrdreg s23  }
0x1b: {  	s24 =	simm.s32 $0xB880;
	s25 =	simm.s32 $0xC080;
	s8 =	simm.s32 $0x80  }
0x1c: {  	s26 =	simm.s32 $0xC880;
	s10 =	simm.s32 $0xD880;
	s11 =	simm.s32 $0xE080  }
0x1d: {  	s12 =	simm.s32 $0xE880;
	s13 =	simm.s32 $0xF080;
	s14 =	simm.s32 $0xF880  }
0x1e: {  	s15 =	simm.s32 $0x10080;
	s16 =	simm.s32 $0x10880;
	s17 =	simm.s32 $0x11080  }
0x1f: {  	s18 =	simm.s32 $0x11880;
	s20 =	simm.s32 $0x12880;
	[dreg:$0xa] =	wrdreg s4  }
0x20: {  	s21 =	simm.s32 $0x13080;
	s22 =	simm.s32 $0x13880;
	[dreg:$0x1c] =	wrdreg s24  }
0x21: {  	s23 =	simm.s32 $0x14080;
	s4 =	sadd.s32 $0x11100, s6;
	[dreg:$0x1d] =	wrdreg s25  }
0x22: {  	[dreg:$0x1e] =	wrdreg s26;
	s24 =	simm.s32 $0x14880;
	s3 =	sadd.s32 s3, s7  }
0x23: {  	v2 =	vlaneseq.u32;
	s25 =	simm.s32 $0x15080;
	s7 =	simm.s32 $0x3880;
	[dreg:$0x5] =	wrdreg s3  }
0x24: {  	vm0 =	vmmov $0xffff;
	v1 =	vshrl.u32 v2, $0x3;
	s26 =	simm.s32 $0x15880;
	[dreg:$0xc] =	wrdreg s7;
	s3 =	sadd.s32 $0x11000, s6  }
0x25: {  	v0 =	vand.u32 $0x7, v2;
	v2 =	vor.u32 $0x8, v2;
	v1 =	vmul.u32 $0x8, v1;
	s6 =	smax.u32 s1, $0x1;
	s7 =	simm.s32 $0x2;
	s1 =	simm.s32 $0x1  }
.LBB2_1:
0x26: {  	s0 =	rddreg [dreg:$0x4]  }
0x27: {  	[tilespmem:s2], [sflag:$0x2] =	stream.linear.gather [hbm4b:s0+s2], $0x80, $0x38;
	[tilespmem:$0x18080] =	vst v63  }
0x28: {  	_ =	swait.ge [sflag:s7], $0x80  }
0x29: {  	[sflag:s7] =	ssyncset.done $0x0  }
0x2a: {  	s9 =	rddreg [dreg:$0x5];
	[sflag:s7] =	ssyncadd.s32 $0xFFFFFF80  }
0x2b: {  	[tilespmem:s8], [sflag:$0x2] =	stream.linear.gather [hbm4b:s9+s2], $0x18000, $0x38;
	[tilespmem:$0x18080] =	vst v63  }
0x2c: {  	_ =	swait.ge [sflag:s7], $0x18000  }
0x2d: {  	[sflag:s7] =	ssyncset.done $0x0  }
0x2e: {  	[sflag:s7] =	ssyncadd.s32 $0xFFFE8000  }
0x2f: {  	v3 =	vld [tilespmem:$0x0];
	_ =	sdelay $0x4  }
0x30: {  	v4 =	vshrl.u32 v3, $0x3  }
0x31: {  	v4 =	vmul.u32 $0x30, v4  }
0x32: {  	v3 =	vand.u32 $0x7, v3  }
0x33: {  	v3 =	vor.u32 v3, v4  }
0x34: {  	v4 =	vperm.xlane v3, v0;
	_ =	sdelay $0x1  }
0x35: {  	v4 =	vadd.s32 v1, v4;
	_ =	sdelay $0x3  }
0x36: {  	v3 =	vperm.xlane v3, v2  }
0x37: {  	[hbm4b:s3+s2] =	stream.indirect_vreg.scatter [tilespmem:s8], [sflag:$0x1], $0x80, v4, vm0, $0xb8;
	[tilespmem:$0x18080] =	vst v63  }
0x38: {  	s0 =	rddreg [dreg:$0x6];
	v3 =	vadd.s32 v1, v3  }
0x39: {  	[hbm4b:s4+s2] =	stream.indirect_vreg.scatter [tilespmem:s0], [sflag:$0x1], $0x80, v4, vm0, $0xb8;
	[tilespmem:$0x18080] =	vst v63  }
0x3a: {  	s9 =	rddreg [dreg:$0x7]  }
0x3b: {  	[hbm4b:s5+s2] =	stream.indirect_vreg.scatter [tilespmem:s9], [sflag:$0x1], $0x80, v4, vm0, $0xb8;
	[tilespmem:$0x18080] =	vst v63  }
0x3c: {  	s0 =	rddreg [dreg:$0x8]  }
0x3d: {  	[hbm4b:s3+s2] =	stream.indirect_vreg.scatter [tilespmem:s0], [sflag:$0x1], $0x80, v3, vm0, $0xb8;
	[tilespmem:$0x18080] =	vst v63  }
0x3e: {  	s9 =	rddreg [dreg:$0x9]  }
0x3f: {  	[hbm4b:s4+s2] =	stream.indirect_vreg.scatter [tilespmem:s9], [sflag:$0x1], $0x80, v3, vm0, $0xb8;
	[tilespmem:$0x18080] =	vst v63  }
0x40: {  	s0 =	rddreg [dreg:$0xa]  }
0x41: {  	[hbm4b:s5+s2] =	stream.indirect_vreg.scatter [tilespmem:s0], [sflag:$0x1], $0x80, v3, vm0, $0xb8;
	[tilespmem:$0x18080] =	vst v63  }
0x42: {  	v3 =	vld [tilespmem:$0x10];
	_ =	sdelay $0x4  }
0x43: {  	v57 =	vshrl.u32 v3, $0x3  }
0x44: {  	v4 =	vmul.u32 $0x30, v57  }
0x45: {  	v3 =	vand.u32 $0x7, v3  }
0x46: {  	v3 =	vor.u32 v3, v4  }
0x47: {  	v4 =	vperm.xlane v3, v0;
	_ =	sdelay $0x1  }
0x48: {  	v4 =	vadd.s32 v1, v4;
	_ =	sdelay $0x3  }
0x49: {  	s0 =	rddreg [dreg:$0xb];
	v3 =	vperm.xlane v3, v2  }
0x4a: {  	[hbm4b:s3+s2] =	stream.indirect_vreg.scatter [tilespmem:s0], [sflag:$0x1], $0x80, v4, vm0, $0xb8;
	[tilespmem:$0x18080] =	vst v63  }
0x4b: {  	s9 =	rddreg [dreg:$0xc];
	v3 =	vadd.s32 v1, v3  }
0x4c: {  	[hbm4b:s4+s2] =	stream.indirect_vreg.scatter [tilespmem:s9], [sflag:$0x1], $0x80, v4, vm0, $0xb8;
	[tilespmem:$0x18080] =	vst v63  }
0x4d: {  	s0 =	rddreg [dreg:$0xd]  }
0x4e: {  	[hbm4b:s5+s2] =	stream.indirect_vreg.scatter [tilespmem:s0], [sflag:$0x1], $0x80, v4, vm0, $0xb8;
	[tilespmem:$0x18080] =	vst v63  }
0x4f: {  	s9 =	rddreg [dreg:$0xe]  }
0x50: {  	[hbm4b:s3+s2] =	stream.indirect_vreg.scatter [tilespmem:s9], [sflag:$0x1], $0x80, v3, vm0, $0xb8;
	[tilespmem:$0x18080] =	vst v63  }
0x51: {  	s0 =	rddreg [dreg:$0xf]  }
0x52: {  	[hbm4b:s4+s2] =	stream.indirect_vreg.scatter [tilespmem:s0], [sflag:$0x1], $0x80, v3, vm0, $0xb8;
	[tilespmem:$0x18080] =	vst v63  }
0x53: {  	s9 =	rddreg [dreg:$0x10]  }
0x54: {  	[hbm4b:s5+s2] =	stream.indirect_vreg.scatter [tilespmem:s9], [sflag:$0x1], $0x80, v3, vm0, $0xb8;
	[tilespmem:$0x18080] =	vst v63  }
0x55: {  	v3 =	vld [tilespmem:$0x20];
	_ =	sdelay $0x4  }
0x56: {  	v58 =	vshrl.u32 v3, $0x3  }
0x57: {  	v4 =	vmul.u32 $0x30, v58  }
0x58: {  	v3 =	vand.u32 $0x7, v3  }
0x59: {  	v3 =	vor.u32 v3, v4  }
0x5a: {  	v4 =	vperm.xlane v3, v0;
	_ =	sdelay $0x1  }
0x5b: {  	v4 =	vadd.s32 v1, v4;
	_ =	sdelay $0x3  }
0x5c: {  	s0 =	rddreg [dreg:$0x11];
	v3 =	vperm.xlane v3, v2  }
0x5d: {  	[hbm4b:s3+s2] =	stream.indirect_vreg.scatter [tilespmem:s0], [sflag:$0x1], $0x80, v4, vm0, $0xb8;
	[tilespmem:$0x18080] =	vst v63  }
0x5e: {  	s9 =	rddreg [dreg:$0x12];
	v3 =	vadd.s32 v1, v3  }
0x5f: {  	[hbm4b:s4+s2] =	stream.indirect_vreg.scatter [tilespmem:s9], [sflag:$0x1], $0x80, v4, vm0, $0xb8;
	[tilespmem:$0x18080] =	vst v63  }
0x60: {  	s0 =	rddreg [dreg:$0x13]  }
0x61: {  	[hbm4b:s5+s2] =	stream.indirect_vreg.scatter [tilespmem:s0], [sflag:$0x1], $0x80, v4, vm0, $0xb8;
	[tilespmem:$0x18080] =	vst v63  }
0x62: {  	s9 =	rddreg [dreg:$0x14]  }
0x63: {  	[hbm4b:s3+s2] =	stream.indirect_vreg.scatter [tilespmem:s9], [sflag:$0x1], $0x80, v3, vm0, $0xb8;
	[tilespmem:$0x18080] =	vst v63  }
0x64: {  	s0 =	rddreg [dreg:$0x15]  }
0x65: {  	[hbm4b:s4+s2] =	stream.indirect_vreg.scatter [tilespmem:s0], [sflag:$0x1], $0x80, v3, vm0, $0xb8;
	[tilespmem:$0x18080] =	vst v63  }
0x66: {  	s9 =	rddreg [dreg:$0x16]  }
0x67: {  	[hbm4b:s5+s2] =	stream.indirect_vreg.scatter [tilespmem:s9], [sflag:$0x1], $0x80, v3, vm0, $0xb8;
	[tilespmem:$0x18080] =	vst v63  }
0x68: {  	v3 =	vld [tilespmem:$0x30];
	_ =	sdelay $0x4  }
0x69: {  	v59 =	vshrl.u32 v3, $0x3  }
0x6a: {  	v4 =	vmul.u32 $0x30, v59  }
0x6b: {  	v3 =	vand.u32 $0x7, v3  }
0x6c: {  	v3 =	vor.u32 v3, v4  }
0x6d: {  	v4 =	vperm.xlane v3, v0;
	_ =	sdelay $0x1  }
0x6e: {  	v4 =	vadd.s32 v1, v4;
	_ =	sdelay $0x3  }
0x6f: {  	s0 =	rddreg [dreg:$0x17];
	v3 =	vperm.xlane v3, v2  }
0x70: {  	[hbm4b:s3+s2] =	stream.indirect_vreg.scatter [tilespmem:s0], [sflag:$0x1], $0x80, v4, vm0, $0xb8;
	[tilespmem:$0x18080] =	vst v63  }
0x71: {  	s9 =	rddreg [dreg:$0x18];
	v3 =	vadd.s32 v1, v3  }
0x72: {  	[hbm4b:s4+s2] =	stream.indirect_vreg.scatter [tilespmem:s9], [sflag:$0x1], $0x80, v4, vm0, $0xb8;
	[tilespmem:$0x18080] =	vst v63  }
0x73: {  	s0 =	rddreg [dreg:$0x19]  }
0x74: {  	[hbm4b:s5+s2] =	stream.indirect_vreg.scatter [tilespmem:s0], [sflag:$0x1], $0x80, v4, vm0, $0xb8;
	[tilespmem:$0x18080] =	vst v63  }
0x75: {  	s9 =	rddreg [dreg:$0x1a]  }
0x76: {  	[hbm4b:s3+s2] =	stream.indirect_vreg.scatter [tilespmem:s9], [sflag:$0x1], $0x80, v3, vm0, $0xb8;
	[tilespmem:$0x18080] =	vst v63  }
0x77: {  	s0 =	rddreg [dreg:$0x1b]  }
0x78: {  	[hbm4b:s4+s2] =	stream.indirect_vreg.scatter [tilespmem:s0], [sflag:$0x1], $0x80, v3, vm0, $0xb8;
	[tilespmem:$0x18080] =	vst v63  }
0x79: {  	s9 =	rddreg [dreg:$0x1c]  }
0x7a: {  	[hbm4b:s5+s2] =	stream.indirect_vreg.scatter [tilespmem:s9], [sflag:$0x1], $0x80, v3, vm0, $0xb8;
	[tilespmem:$0x18080] =	vst v63  }
0x7b: {  	v3 =	vld [tilespmem:$0x40];
	_ =	sdelay $0x4  }
0x7c: {  	v60 =	vshrl.u32 v3, $0x3  }
0x7d: {  	v4 =	vmul.u32 $0x30, v60  }
0x7e: {  	v3 =	vand.u32 $0x7, v3  }
0x7f: {  	v3 =	vor.u32 v3, v4  }
0x80: {  	v4 =	vperm.xlane v3, v0;
	_ =	sdelay $0x1  }
0x81: {  	v4 =	vadd.s32 v1, v4;
	_ =	sdelay $0x3  }
0x82: {  	s0 =	rddreg [dreg:$0x1d];
	v3 =	vperm.xlane v3, v2  }
0x83: {  	[hbm4b:s3+s2] =	stream.indirect_vreg.scatter [tilespmem:s0], [sflag:$0x1], $0x80, v4, vm0, $0xb8;
	[tilespmem:$0x18080] =	vst v63  }
0x84: {  	s9 =	rddreg [dreg:$0x1e];
	v3 =	vadd.s32 v1, v3  }
0x85: {  	[hbm4b:s4+s2] =	stream.indirect_vreg.scatter [tilespmem:s9], [sflag:$0x1], $0x80, v4, vm0, $0xb8;
	[tilespmem:$0x18080] =	vst v63  }
0x86: {  	s9 =	simm.s32 $0xD080  }
0x87: {  	[hbm4b:s5+s2] =	stream.indirect_vreg.scatter [tilespmem:s9], [sflag:$0x1], $0x80, v4, vm0, $0xb8;
	[tilespmem:$0x18080] =	vst v63  }
0x88: {  	_ = 	snop  }
0x89: {  	[hbm4b:s3+s2] =	stream.indirect_vreg.scatter [tilespmem:s10], [sflag:$0x1], $0x80, v3, vm0, $0xb8;
	[tilespmem:$0x18080] =	vst v63  }
0x8a: {  	_ = 	snop  }
0x8b: {  	[hbm4b:s4+s2] =	stream.indirect_vreg.scatter [tilespmem:s11], [sflag:$0x1], $0x80, v3, vm0, $0xb8;
	[tilespmem:$0x18080] =	vst v63  }
0x8c: {  	_ = 	snop  }
0x8d: {  	[hbm4b:s5+s2] =	stream.indirect_vreg.scatter [tilespmem:s12], [sflag:$0x1], $0x80, v3, vm0, $0xb8;
	[tilespmem:$0x18080] =	vst v63  }
0x8e: {  	v3 =	vld [tilespmem:$0x50];
	_ =	sdelay $0x4  }
0x8f: {  	v61 =	vshrl.u32 v3, $0x3  }
0x90: {  	v4 =	vmul.u32 $0x30, v61  }
0x91: {  	v3 =	vand.u32 $0x7, v3  }
0x92: {  	v3 =	vor.u32 v3, v4  }
0x93: {  	v4 =	vperm.xlane v3, v0;
	_ =	sdelay $0x1  }
0x94: {  	v4 =	vadd.s32 v1, v4;
	_ =	sdelay $0x3  }
0x95: {  	v3 =	vperm.xlane v3, v2  }
0x96: {  	[hbm4b:s3+s2] =	stream.indirect_vreg.scatter [tilespmem:s13], [sflag:$0x1], $0x80, v4, vm0, $0xb8;
	[tilespmem:$0x18080] =	vst v63  }
0x97: {  	v3 =	vadd.s32 v1, v3  }
0x98: {  	[hbm4b:s4+s2] =	stream.indirect_vreg.scatter [tilespmem:s14], [sflag:$0x1], $0x80, v4, vm0, $0xb8;
	[tilespmem:$0x18080] =	vst v63  }
0x99: {  	_ = 	snop  }
0x9a: {  	[hbm4b:s5+s2] =	stream.indirect_vreg.scatter [tilespmem:s15], [sflag:$0x1], $0x80, v4, vm0, $0xb8;
	[tilespmem:$0x18080] =	vst v63  }
0x9b: {  	_ = 	snop  }
0x9c: {  	[hbm4b:s3+s2] =	stream.indirect_vreg.scatter [tilespmem:s16], [sflag:$0x1], $0x80, v3, vm0, $0xb8;
	[tilespmem:$0x18080] =	vst v63  }
0x9d: {  	_ = 	snop  }
0x9e: {  	[hbm4b:s4+s2] =	stream.indirect_vreg.scatter [tilespmem:s17], [sflag:$0x1], $0x80, v3, vm0, $0xb8;
	[tilespmem:$0x18080] =	vst v63  }
0x9f: {  	_ = 	snop  }
0xa0: {  	[hbm4b:s5+s2] =	stream.indirect_vreg.scatter [tilespmem:s18], [sflag:$0x1], $0x80, v3, vm0, $0xb8;
	[tilespmem:$0x18080] =	vst v63  }
0xa1: {  	v3 =	vld [tilespmem:$0x60];
	_ =	sdelay $0x4  }
0xa2: {  	v62 =	vshrl.u32 v3, $0x3  }
0xa3: {  	v4 =	vmul.u32 $0x30, v62  }
0xa4: {  	v3 =	vand.u32 $0x7, v3  }
0xa5: {  	v3 =	vor.u32 v3, v4  }
0xa6: {  	v4 =	vperm.xlane v3, v0;
	_ =	sdelay $0x1  }
0xa7: {  	v4 =	vadd.s32 v1, v4;
	_ =	sdelay $0x3  }
0xa8: {  	v3 =	vperm.xlane v3, v2  }
0xa9: {  	[hbm4b:s3+s2] =	stream.indirect_vreg.scatter [tilespmem:s19], [sflag:$0x1], $0x80, v4, vm0, $0xb8;
	[tilespmem:$0x18080] =	vst v63  }
0xaa: {  	v3 =	vadd.s32 v1, v3  }
0xab: {  	[hbm4b:s4+s2] =	stream.indirect_vreg.scatter [tilespmem:s20], [sflag:$0x1], $0x80, v4, vm0, $0xb8;
	[tilespmem:$0x18080] =	vst v63  }
0xac: {  	_ = 	snop  }
0xad: {  	[hbm4b:s5+s2] =	stream.indirect_vreg.scatter [tilespmem:s21], [sflag:$0x1], $0x80, v4, vm0, $0xb8;
	[tilespmem:$0x18080] =	vst v63  }
0xae: {  	_ = 	snop  }
0xaf: {  	[hbm4b:s3+s2] =	stream.indirect_vreg.scatter [tilespmem:s22], [sflag:$0x1], $0x80, v3, vm0, $0xb8;
	[tilespmem:$0x18080] =	vst v63  }
0xb0: {  	_ = 	snop  }
0xb1: {  	[hbm4b:s4+s2] =	stream.indirect_vreg.scatter [tilespmem:s23], [sflag:$0x1], $0x80, v3, vm0, $0xb8;
	[tilespmem:$0x18080] =	vst v63  }
0xb2: {  	_ = 	snop  }
0xb3: {  	[hbm4b:s5+s2] =	stream.indirect_vreg.scatter [tilespmem:s24], [sflag:$0x1], $0x80, v3, vm0, $0xb8;
	[tilespmem:$0x18080] =	vst v63  }
0xb4: {  	v3 =	vld [tilespmem:$0x70];
	_ =	sdelay $0x4  }
0xb5: {  	v63 =	vshrl.u32 v3, $0x3  }
0xb6: {  	v4 =	vmul.u32 $0x30, v63  }
0xb7: {  	v3 =	vand.u32 $0x7, v3  }
0xb8: {  	v3 =	vor.u32 v3, v4  }
0xb9: {  	v4 =	vperm.xlane v3, v0;
	_ =	sdelay $0x1  }
0xba: {  	v4 =	vadd.s32 v1, v4;
	_ =	sdelay $0x3  }
0xbb: {  	v3 =	vperm.xlane v3, v2  }
0xbc: {  	[hbm4b:s3+s2] =	stream.indirect_vreg.scatter [tilespmem:s25], [sflag:$0x1], $0x80, v4, vm0, $0xb8;
	[tilespmem:$0x18080] =	vst v63  }
0xbd: {  	v3 =	vadd.s32 v1, v3  }
0xbe: {  	[hbm4b:s4+s2] =	stream.indirect_vreg.scatter [tilespmem:s26], [sflag:$0x1], $0x80, v4, vm0, $0xb8;
	[tilespmem:$0x18080] =	vst v63  }
0xbf: {  	_ = 	snop  }
0xc0: {  	[hbm4b:s5+s2] =	stream.indirect_vreg.scatter [tilespmem:s28], [sflag:$0x1], $0x80, v4, vm0, $0xb8;
	[tilespmem:$0x18080] =	vst v63  }
0xc1: {  	_ = 	snop  }
0xc2: {  	[hbm4b:s3+s2] =	stream.indirect_vreg.scatter [tilespmem:s29], [sflag:$0x1], $0x80, v3, vm0, $0xb8;
	[tilespmem:$0x18080] =	vst v63  }
0xc3: {  	p0 =	sne.s32 s6, $0x1  }
0xc4: {  	[hbm4b:s4+s2] =	stream.indirect_vreg.scatter [tilespmem:s30], [sflag:$0x1], $0x80, v3, vm0, $0xb8;
	[tilespmem:$0x18080] =	vst v63  }
.Ltmp0:
0xc5: {  	_ = 	snop;
	(pc) =	sbr.rel @p0 .LBB2_1-.Ltmp0, $4  }
0xc6: {  	[hbm4b:s5+s2] =	stream.indirect_vreg.scatter [tilespmem:s31], [sflag:$0x1], $0x80, v3, vm0, $0xb8;
	[tilespmem:$0x18080] =	vst v63  }
0xc7: {  	_ =	swait.ge [sflag:s1], $0x18000  }
0xc8: {  	[sflag:s1] =	ssyncset.done $0x0  }
0xc9: {  	s6 =	sadd.s32 $0xFFFFFFFF, s6;
	[sflag:s1] =	ssyncadd.s32 $0xFFFE8000  }
0xca: {  	_ =	sfence.sel $0x180000  }
0xcb: {  	[bflag:$0x0] =	sbarrier.arrive $0xFFFF  }
0xcc: {  	_ =	strace $0x90000047  }
0xcd: {  	s0 =	stileid.u32;
	[bflag:$0x2] =	sbarrier.arrive $0xFFFF  }
0xce: {  	p0 =	sne.s32 s0, $0x0;
	s0 =	rddreg [dreg:$0x3]  }
0xcf: {  	s0 =	sadd.s32 @!p0 $0x100000, s0  }
0xd0: {  	[sflag:s0] =	ssyncadd.tile.s32 @!p0 $0x1;
	_ =	shalt  }
.Lfunc_end2:
_tile_overlayer_lowered:
.L_overlay_start_2:
0xd1: {  	(tag) =	ssettag $0x2  }
0xd2: {  	s0 =	rddreg [dreg:$0x0];
	s2 =	stileid.u32  }
0xd3: {  	s1 =	rddreg [dreg:$0x1];
	p0 =	sne.s32 s2, $0x0  }
0xd4: {  	s3 =	rddreg [dreg:$0x2];
	[bflag:$0x3] =	sbarrier.arrive $0xFFFF;
	s2 =	simm.s32 @!p0 $0x1C02  }
0xd5: {  	[timem:s3], [sflag:s2] =	dma.local @!p0 [hbm:s0], s1  }
0xd6: {  	s0 =	simm.s32 @!p0 $0x2  }
0xd7: {  	_ =	swait.ge @!p0 [sflag:s0], s1  }
0xd8: {  	s1 =	ssub.s32 @!p0 $0x0, s1;
	[sflag:s0] =	ssyncset.done @!p0 $0x0  }
0xd9: {  	[sflag:s0] =	ssyncadd.s32 @!p0 s1  }
0xda: {  	[bflag:$0x3] =	sbarrier.arrive $0xFFFF  }
0xdb: {  	_ =	shalt  }

</sc_bundles>
